<compile_context>
chip_gen: v7x
topology: tpu7x:2x2x1
jax: 0.10.2.dev20260603
libtpu: 0.0.44.dev20260713+nightly
codegen_flags: <defaults>
</compile_context>

<pallas_src>
import functools

import jax
import jax.numpy as jnp
from jax import lax
from jax.experimental import pallas as pl
from jax.experimental.pallas import tpu as pltpu
from jax.experimental.pallas import tpu_sc as plsc

_B = 16384
_D = 32
_K = 8192
_BT = 256
_LOSS_SCALE = 12.5 / (_B * _D)


_CH = 128
_RG = 128


def _half_argmin(a, m2, c, lane, lo, hi):
    d = (a - m2[:, lo * _CH:(lo + 1) * _CH]) + c[:, lo * _CH:(lo + 1) * _CH]
    acc = d
    jacc = jnp.zeros(d.shape, jnp.float32)
    for j in range(lo + 1, hi):
        d = (a - m2[:, j * _CH:(j + 1) * _CH]) + c[:, j * _CH:(j + 1) * _CH]
        mask = d < acc
        jacc = jnp.where(mask, float((j - lo) * _CH), jacc)
        acc = jnp.minimum(acc, d)
    mv = jnp.min(acc, axis=1, keepdims=True)
    kc = jnp.where(acc == mv, jacc + lane, float(_K))
    idxf = jnp.min(kc, axis=1)
    return mv, idxf


def _vq_tc_body(z_ref, e_ref, a_ref, c_ref, codes_ref, loss_ref):
    pid = pl.program_id(0)
    nprog = pl.num_programs(0)

    @pl.when(pid == 0)
    def _init():
        loss_ref[...] = jnp.zeros((1, 1), jnp.float32)

    z = z_ref[...]
    a = a_ref[...]
    m2 = lax.dot_general(
        z + z, e_ref[...], (((1,), (1,)), ((), ())),
        preferred_element_type=jnp.float32,
    )
    c = c_ref[...]
    lane = lax.convert_element_type(
        lax.broadcasted_iota(jnp.int32, (1, _CH), 1), jnp.float32)

    nch = _K // _CH
    part = jnp.zeros((1, 1), jnp.float32)
    for r in range(0, _BT, _RG):
        ar = a[r:r + _RG]
        m2r = m2[r:r + _RG]
        m0, i0f = _half_argmin(ar, m2r, c, lane, 0, nch // 2)
        m1, i1f = _half_argmin(ar, m2r, c, lane, nch // 2, nch)
        i0 = lax.convert_element_type(i0f, jnp.int32)
        i1 = lax.convert_element_type(i1f, jnp.int32) + _K // 2
        m0b = lax.convert_element_type(
            lax.convert_element_type(m0, jnp.bfloat16), jnp.float32)
        take1 = m1 < m0b
        codes_ref[pl.ds(r, _RG)] = jnp.where(take1[:, 0], i1, i0)
        sel = jnp.where(take1, m1, m0)
        part = part + jnp.sum(sel).reshape(1, 1)

    loss_ref[...] += part

    @pl.when(pid == nprog - 1)
    def _fin():
        loss_ref[...] = loss_ref[...] * _LOSS_SCALE


def _vq_tc(z, e, a, c):
    grid = (_B // _BT,)
    return pl.pallas_call(
        _vq_tc_body,
        grid=grid,
        in_specs=[
            pl.BlockSpec((_BT, _D), lambda i: (i, 0)),
            pl.BlockSpec((_K, _D), lambda i: (0, 0)),
            pl.BlockSpec((_BT, 1), lambda i: (i, 0)),
            pl.BlockSpec((1, _K), lambda i: (0, 0)),
        ],
        out_specs=[
            pl.BlockSpec((_BT,), lambda i: (i,)),
            pl.BlockSpec((1, 1), lambda i: (0, 0)),
        ],
        out_shape=[
            jax.ShapeDtypeStruct((_B,), jnp.int32),
            jax.ShapeDtypeStruct((1, 1), jnp.float32),
        ],
    )(z, e, a, c)


def _gather_sc(table, codes):
    info = plsc.get_sparse_core_info()
    nw = info.num_cores * info.num_subcores
    bpw = _B // nw
    mesh = plsc.VectorSubcoreMesh(core_axis_name="c", subcore_axis_name="s")

    @functools.partial(
        pl.kernel,
        out_type=jax.ShapeDtypeStruct((_B, _D), jnp.float32),
        mesh=mesh,
        scratch_types=[
            pltpu.VMEM((bpw // 128, 128), jnp.int32),
            pltpu.VMEM((bpw // 128, 128, _D), jnp.float32),
            pltpu.SemaphoreType.DMA,
        ],
        compiler_params=pltpu.CompilerParams(use_tc_tiling_on_sc=False),
    )
    def k(table_hbm, idx_hbm, out_hbm, idx_v, rows_v, sem):
        wid = lax.axis_index("s") * info.num_cores + lax.axis_index("c")
        base = wid * bpw
        nchunk = bpw // 128
        for j in range(nchunk):
            pltpu.sync_copy(idx_hbm.at[pl.ds(base + j * 128, 128)],
                            idx_v.at[j])
        copies = [pltpu.async_copy(table_hbm.at[idx_v.at[j]],
                                   rows_v.at[j], sem)
                  for j in range(nchunk)]
        for cp in copies:
            cp.wait()
        for j in range(nchunk):
            pltpu.sync_copy(rows_v.at[j],
                            out_hbm.at[pl.ds(base + j * 128, 128)])

    return k(table, codes)


def kernel(z, embedding_weight):
    a = jnp.sum(z ** 2, axis=1, keepdims=True)
    c = jnp.sum(embedding_weight ** 2, axis=1)[None, :]
    codes, loss = _vq_tc(z, embedding_weight, a, c)
    z_q = _gather_sc(embedding_weight, codes)
    commit_loss = loss[0, 0]
    z_q_st = z + lax.stop_gradient(z_q - z)
    return (z_q_st, commit_loss, codes)

# --- scband reference (transcript-rebuilt; emitter-appended) ---
"""Pipeline reference for scband-shared-vector-quantizer-17008070492263 (READ-ONLY COPY).

The authoritative reference and input builder live on the scoring server;
editing this copy changes nothing except your own understanding.
"""

import jax, jax.numpy as jnp
import numpy as np

B = 16384
D = 32
K = 8192

def setup_inputs(seed: int = 0) -> dict:
    key = jax.random.key(seed)
    k1, k2 = jax.random.split(key)
    z = jax.random.normal(k1, (B, D), dtype=jnp.float32)
    embedding_weight = jax.random.uniform(k2, (K, D), dtype=jnp.float32, minval=-1.0 / K, maxval=1.0 / K)
    return {"z": z, "embedding_weight": embedding_weight}

def reference(z, embedding_weight):
    # dist[b,k] = ||z_b||^2 - 2 z_b . e_k + ||e_k||^2
    dist = (jnp.sum(z ** 2, axis=1, keepdims=True)
            - 2.0 * (z @ embedding_weight.T)
            + jnp.sum(embedding_weight ** 2, axis=1)[None, :])
    codes = jnp.argmin(dist, axis=-1)
    z_q = jnp.take(embedding_weight, codes, axis=0)
    e_loss = jnp.mean((jax.lax.stop_gradient(z_q) - z) ** 2)
    q_loss = jnp.mean((z_q - jax.lax.stop_gradient(z)) ** 2)
    commit_loss = 10.0 * (0.25 * e_loss + q_loss)
    z_q_st = z + jax.lax.stop_gradient(z_q - z)
    return (z_q_st, commit_loss, codes)

if __name__ == "__main__":
    import jax
    _d = setup_inputs()
    print(jax.jit(kernel)(*tuple(_d.values())))

</pallas_src>

<mosaic_0001>
#map = affine_map<(d0, d1) -> (0, 0)>
#map1 = affine_map<(d0, d1) -> (0)>
module attributes {stable_mosaic.version = 14 : i64} {
  func.func @k(%arg0: i32, %arg1: i32, %arg2: memref<8192x32xf32, #tpu.memory_space<hbm>>, %arg3: memref<16384xi32, #tpu.memory_space<hbm>>, %arg4: memref<16384x32xf32, #tpu.memory_space<hbm>>, %arg5: memref<4x128xi32, #tpu.memory_space<vmem>>, %arg6: memref<4x128x32xf32, #tpu.memory_space<vmem>>, %arg7: memref<!tpu.dma_semaphore, #tpu.memory_space<semaphore_mem>>) attributes {dimension_semantics = [#tpu.dimension_semantics<core_parallel>, #tpu.dimension_semantics<subcore_parallel>], iteration_bounds = array<i64: 2, 16>, scalar_prefetch = 0 : i64, scratch_operands = 3 : i64, tpu.core_type = #tpu.core_type<sc_vector_subcore>, window_params = [{transform_indices = #map}, {transform_indices = #map1}, {transform_indices = #map}]} {
    %mul3A = arith.constant 2 : i32
    %mul3A_0 = arith.muli %arg1, %mul3A : i32
    %add3A = arith.addi %mul3A_0, %arg0 : i32
    %mul3A_1 = arith.constant 512 : i32
    %mul3A_2 = arith.muli %add3A, %mul3A_1 : i32
    %add3A_3 = arith.constant 0 : i32
    %add3A_4 = arith.addi %mul3A_2, %add3A_3 : i32
    %run_scoped3A = arith.constant 0 : i32
    "tpu.region"() ({
      %run_scoped3A_120 = tpu.sem_alloc : memref<!tpu.dma_semaphore, #tpu.memory_space<semaphore_mem>>
      %dma_start3A_121 = arith.constant 0 : i32
      %dma_start3A_122 = tpu.memref_slice %arg5[%run_scoped3A, %dma_start3A_121] : memref<4x128xi32, #tpu.memory_space<vmem>> -> memref<1x128xi32, #tpu.memory_space<vmem>>
      %dma_start3A_123 = tpu.memref_squeeze %dma_start3A_122 : memref<1x128xi32, #tpu.memory_space<vmem>> -> memref<128xi32, #tpu.memory_space<vmem>>
      %dma_start3A_124 = tpu.memref_slice %arg3[%add3A_4] : memref<16384xi32, #tpu.memory_space<hbm>> -> memref<128xi32, #tpu.memory_space<hbm>>
      %dma_start3A_125 = arith.constant 0 : i32
      %dma_start3A_126 = tpu.memref_slice %arg5[%run_scoped3A, %dma_start3A_125] : memref<4x128xi32, #tpu.memory_space<vmem>> -> memref<1x128xi32, #tpu.memory_space<vmem>>
      %dma_start3A_127 = tpu.memref_squeeze %dma_start3A_126 : memref<1x128xi32, #tpu.memory_space<vmem>> -> memref<128xi32, #tpu.memory_space<vmem>>
      %dma_start3A_128 = tpu.memref_slice %arg3[%add3A_4] : memref<16384xi32, #tpu.memory_space<hbm>> -> memref<128xi32, #tpu.memory_space<hbm>>
      tpu.enqueue_dma source(%dma_start3A_128 : memref<128xi32, #tpu.memory_space<hbm>>) target(%dma_start3A_127 : memref<128xi32, #tpu.memory_space<vmem>>) target_semaphore(%run_scoped3A_120 : memref<!tpu.dma_semaphore, #tpu.memory_space<semaphore_mem>>)
      %dma_wait3A_129 = arith.constant 0 : i32
      %dma_wait3A_130 = tpu.memref_slice %arg5[%run_scoped3A, %dma_wait3A_129] : memref<4x128xi32, #tpu.memory_space<vmem>> -> memref<1x128xi32, #tpu.memory_space<vmem>>
      %dma_wait3A_131 = tpu.memref_squeeze %dma_wait3A_130 : memref<1x128xi32, #tpu.memory_space<vmem>> -> memref<128xi32, #tpu.memory_space<vmem>>
      %dma_wait3A_132 = tpu.memref_slice %arg3[%add3A_4] : memref<16384xi32, #tpu.memory_space<hbm>> -> memref<128xi32, #tpu.memory_space<hbm>>
      %dma_wait3A_133 = arith.constant 0 : i32
      %dma_wait3A_134 = tpu.memref_slice %arg5[%run_scoped3A, %dma_wait3A_133] : memref<4x128xi32, #tpu.memory_space<vmem>> -> memref<1x128xi32, #tpu.memory_space<vmem>>
      %dma_wait3A_135 = tpu.memref_squeeze %dma_wait3A_134 : memref<1x128xi32, #tpu.memory_space<vmem>> -> memref<128xi32, #tpu.memory_space<vmem>>
      %dma_wait3A_136 = tpu.memref_slice %arg3[%add3A_4] : memref<16384xi32, #tpu.memory_space<hbm>> -> memref<128xi32, #tpu.memory_space<hbm>>
      tpu.wait_dma2 semaphore(%run_scoped3A_120 : memref<!tpu.dma_semaphore, #tpu.memory_space<semaphore_mem>>) src(%dma_wait3A_136 : memref<128xi32, #tpu.memory_space<hbm>>) dst(%dma_wait3A_135 : memref<128xi32, #tpu.memory_space<vmem>>)
      tpu.yield
    }) : () -> ()
    %add3A_5 = arith.constant 128 : i32
    %add3A_6 = arith.addi %mul3A_2, %add3A_5 : i32
    %run_scoped3A_7 = arith.constant 1 : i32
    "tpu.region"() ({
      %run_scoped3A_120 = tpu.sem_alloc : memref<!tpu.dma_semaphore, #tpu.memory_space<semaphore_mem>>
      %dma_start3A_121 = arith.constant 0 : i32
      %dma_start3A_122 = tpu.memref_slice %arg5[%run_scoped3A_7, %dma_start3A_121] : memref<4x128xi32, #tpu.memory_space<vmem>> -> memref<1x128xi32, #tpu.memory_space<vmem>>
      %dma_start3A_123 = tpu.memref_squeeze %dma_start3A_122 : memref<1x128xi32, #tpu.memory_space<vmem>> -> memref<128xi32, #tpu.memory_space<vmem>>
      %dma_start3A_124 = tpu.memref_slice %arg3[%add3A_6] : memref<16384xi32, #tpu.memory_space<hbm>> -> memref<128xi32, #tpu.memory_space<hbm>>
      %dma_start3A_125 = arith.constant 0 : i32
      %dma_start3A_126 = tpu.memref_slice %arg5[%run_scoped3A_7, %dma_start3A_125] : memref<4x128xi32, #tpu.memory_space<vmem>> -> memref<1x128xi32, #tpu.memory_space<vmem>>
      %dma_start3A_127 = tpu.memref_squeeze %dma_start3A_126 : memref<1x128xi32, #tpu.memory_space<vmem>> -> memref<128xi32, #tpu.memory_space<vmem>>
      %dma_start3A_128 = tpu.memref_slice %arg3[%add3A_6] : memref<16384xi32, #tpu.memory_space<hbm>> -> memref<128xi32, #tpu.memory_space<hbm>>
      tpu.enqueue_dma source(%dma_start3A_128 : memref<128xi32, #tpu.memory_space<hbm>>) target(%dma_start3A_127 : memref<128xi32, #tpu.memory_space<vmem>>) target_semaphore(%run_scoped3A_120 : memref<!tpu.dma_semaphore, #tpu.memory_space<semaphore_mem>>)
      %dma_wait3A_129 = arith.constant 0 : i32
      %dma_wait3A_130 = tpu.memref_slice %arg5[%run_scoped3A_7, %dma_wait3A_129] : memref<4x128xi32, #tpu.memory_space<vmem>> -> memref<1x128xi32, #tpu.memory_space<vmem>>
      %dma_wait3A_131 = tpu.memref_squeeze %dma_wait3A_130 : memref<1x128xi32, #tpu.memory_space<vmem>> -> memref<128xi32, #tpu.memory_space<vmem>>
      %dma_wait3A_132 = tpu.memref_slice %arg3[%add3A_6] : memref<16384xi32, #tpu.memory_space<hbm>> -> memref<128xi32, #tpu.memory_space<hbm>>
      %dma_wait3A_133 = arith.constant 0 : i32
      %dma_wait3A_134 = tpu.memref_slice %arg5[%run_scoped3A_7, %dma_wait3A_133] : memref<4x128xi32, #tpu.memory_space<vmem>> -> memref<1x128xi32, #tpu.memory_space<vmem>>
      %dma_wait3A_135 = tpu.memref_squeeze %dma_wait3A_134 : memref<1x128xi32, #tpu.memory_space<vmem>> -> memref<128xi32, #tpu.memory_space<vmem>>
      %dma_wait3A_136 = tpu.memref_slice %arg3[%add3A_6] : memref<16384xi32, #tpu.memory_space<hbm>> -> memref<128xi32, #tpu.memory_space<hbm>>
      tpu.wait_dma2 semaphore(%run_scoped3A_120 : memref<!tpu.dma_semaphore, #tpu.memory_space<semaphore_mem>>) src(%dma_wait3A_136 : memref<128xi32, #tpu.memory_space<hbm>>) dst(%dma_wait3A_135 : memref<128xi32, #tpu.memory_space<vmem>>)
      tpu.yield
    }) : () -> ()
    %add3A_8 = arith.constant 256 : i32
    %add3A_9 = arith.addi %mul3A_2, %add3A_8 : i32
    %run_scoped3A_10 = arith.constant 2 : i32
    "tpu.region"() ({
      %run_scoped3A_120 = tpu.sem_alloc : memref<!tpu.dma_semaphore, #tpu.memory_space<semaphore_mem>>
      %dma_start3A_121 = arith.constant 0 : i32
      %dma_start3A_122 = tpu.memref_slice %arg5[%run_scoped3A_10, %dma_start3A_121] : memref<4x128xi32, #tpu.memory_space<vmem>> -> memref<1x128xi32, #tpu.memory_space<vmem>>
      %dma_start3A_123 = tpu.memref_squeeze %dma_start3A_122 : memref<1x128xi32, #tpu.memory_space<vmem>> -> memref<128xi32, #tpu.memory_space<vmem>>
      %dma_start3A_124 = tpu.memref_slice %arg3[%add3A_9] : memref<16384xi32, #tpu.memory_space<hbm>> -> memref<128xi32, #tpu.memory_space<hbm>>
      %dma_start3A_125 = arith.constant 0 : i32
      %dma_start3A_126 = tpu.memref_slice %arg5[%run_scoped3A_10, %dma_start3A_125] : memref<4x128xi32, #tpu.memory_space<vmem>> -> memref<1x128xi32, #tpu.memory_space<vmem>>
      %dma_start3A_127 = tpu.memref_squeeze %dma_start3A_126 : memref<1x128xi32, #tpu.memory_space<vmem>> -> memref<128xi32, #tpu.memory_space<vmem>>
      %dma_start3A_128 = tpu.memref_slice %arg3[%add3A_9] : memref<16384xi32, #tpu.memory_space<hbm>> -> memref<128xi32, #tpu.memory_space<hbm>>
      tpu.enqueue_dma source(%dma_start3A_128 : memref<128xi32, #tpu.memory_space<hbm>>) target(%dma_start3A_127 : memref<128xi32, #tpu.memory_space<vmem>>) target_semaphore(%run_scoped3A_120 : memref<!tpu.dma_semaphore, #tpu.memory_space<semaphore_mem>>)
      %dma_wait3A_129 = arith.constant 0 : i32
      %dma_wait3A_130 = tpu.memref_slice %arg5[%run_scoped3A_10, %dma_wait3A_129] : memref<4x128xi32, #tpu.memory_space<vmem>> -> memref<1x128xi32, #tpu.memory_space<vmem>>
      %dma_wait3A_131 = tpu.memref_squeeze %dma_wait3A_130 : memref<1x128xi32, #tpu.memory_space<vmem>> -> memref<128xi32, #tpu.memory_space<vmem>>
      %dma_wait3A_132 = tpu.memref_slice %arg3[%add3A_9] : memref<16384xi32, #tpu.memory_space<hbm>> -> memref<128xi32, #tpu.memory_space<hbm>>
      %dma_wait3A_133 = arith.constant 0 : i32
      %dma_wait3A_134 = tpu.memref_slice %arg5[%run_scoped3A_10, %dma_wait3A_133] : memref<4x128xi32, #tpu.memory_space<vmem>> -> memref<1x128xi32, #tpu.memory_space<vmem>>
      %dma_wait3A_135 = tpu.memref_squeeze %dma_wait3A_134 : memref<1x128xi32, #tpu.memory_space<vmem>> -> memref<128xi32, #tpu.memory_space<vmem>>
      %dma_wait3A_136 = tpu.memref_slice %arg3[%add3A_9] : memref<16384xi32, #tpu.memory_space<hbm>> -> memref<128xi32, #tpu.memory_space<hbm>>
      tpu.wait_dma2 semaphore(%run_scoped3A_120 : memref<!tpu.dma_semaphore, #tpu.memory_space<semaphore_mem>>) src(%dma_wait3A_136 : memref<128xi32, #tpu.memory_space<hbm>>) dst(%dma_wait3A_135 : memref<128xi32, #tpu.memory_space<vmem>>)
      tpu.yield
    }) : () -> ()
    %add3A_11 = arith.constant 384 : i32
    %add3A_12 = arith.addi %mul3A_2, %add3A_11 : i32
    %run_scoped3A_13 = arith.constant 3 : i32
    "tpu.region"() ({
      %run_scoped3A_120 = tpu.sem_alloc : memref<!tpu.dma_semaphore, #tpu.memory_space<semaphore_mem>>
      %dma_start3A_121 = arith.constant 0 : i32
      %dma_start3A_122 = tpu.memref_slice %arg5[%run_scoped3A_13, %dma_start3A_121] : memref<4x128xi32, #tpu.memory_space<vmem>> -> memref<1x128xi32, #tpu.memory_space<vmem>>
      %dma_start3A_123 = tpu.memref_squeeze %dma_start3A_122 : memref<1x128xi32, #tpu.memory_space<vmem>> -> memref<128xi32, #tpu.memory_space<vmem>>
      %dma_start3A_124 = tpu.memref_slice %arg3[%add3A_12] : memref<16384xi32, #tpu.memory_space<hbm>> -> memref<128xi32, #tpu.memory_space<hbm>>
      %dma_start3A_125 = arith.constant 0 : i32
      %dma_start3A_126 = tpu.memref_slice %arg5[%run_scoped3A_13, %dma_start3A_125] : memref<4x128xi32, #tpu.memory_space<vmem>> -> memref<1x128xi32, #tpu.memory_space<vmem>>
      %dma_start3A_127 = tpu.memref_squeeze %dma_start3A_126 : memref<1x128xi32, #tpu.memory_space<vmem>> -> memref<128xi32, #tpu.memory_space<vmem>>
      %dma_start3A_128 = tpu.memref_slice %arg3[%add3A_12] : memref<16384xi32, #tpu.memory_space<hbm>> -> memref<128xi32, #tpu.memory_space<hbm>>
      tpu.enqueue_dma source(%dma_start3A_128 : memref<128xi32, #tpu.memory_space<hbm>>) target(%dma_start3A_127 : memref<128xi32, #tpu.memory_space<vmem>>) target_semaphore(%run_scoped3A_120 : memref<!tpu.dma_semaphore, #tpu.memory_space<semaphore_mem>>)
      %dma_wait3A_129 = arith.constant 0 : i32
      %dma_wait3A_130 = tpu.memref_slice %arg5[%run_scoped3A_13, %dma_wait3A_129] : memref<4x128xi32, #tpu.memory_space<vmem>> -> memref<1x128xi32, #tpu.memory_space<vmem>>
      %dma_wait3A_131 = tpu.memref_squeeze %dma_wait3A_130 : memref<1x128xi32, #tpu.memory_space<vmem>> -> memref<128xi32, #tpu.memory_space<vmem>>
      %dma_wait3A_132 = tpu.memref_slice %arg3[%add3A_12] : memref<16384xi32, #tpu.memory_space<hbm>> -> memref<128xi32, #tpu.memory_space<hbm>>
      %dma_wait3A_133 = arith.constant 0 : i32
      %dma_wait3A_134 = tpu.memref_slice %arg5[%run_scoped3A_13, %dma_wait3A_133] : memref<4x128xi32, #tpu.memory_space<vmem>> -> memref<1x128xi32, #tpu.memory_space<vmem>>
      %dma_wait3A_135 = tpu.memref_squeeze %dma_wait3A_134 : memref<1x128xi32, #tpu.memory_space<vmem>> -> memref<128xi32, #tpu.memory_space<vmem>>
      %dma_wait3A_136 = tpu.memref_slice %arg3[%add3A_12] : memref<16384xi32, #tpu.memory_space<hbm>> -> memref<128xi32, #tpu.memory_space<hbm>>
      tpu.wait_dma2 semaphore(%run_scoped3A_120 : memref<!tpu.dma_semaphore, #tpu.memory_space<semaphore_mem>>) src(%dma_wait3A_136 : memref<128xi32, #tpu.memory_space<hbm>>) dst(%dma_wait3A_135 : memref<128xi32, #tpu.memory_space<vmem>>)
      tpu.yield
    }) : () -> ()
    %dma_start3A = arith.constant 0 : i32
    %dma_start3A_14 = arith.constant 0 : i32
    %dma_start3A_15 = arith.constant 0 : i32
    %dma_start3A_16 = arith.constant 0 : i32
    %dma_start3A_17 = tpu.memref_slice %arg6[%dma_start3A_14, %dma_start3A_15, %dma_start3A_16] : memref<4x128x32xf32, #tpu.memory_space<vmem>> -> memref<1x128x32xf32, #tpu.memory_space<vmem>>
    %dma_start3A_18 = tpu.memref_squeeze %dma_start3A_17 : memref<1x128x32xf32, #tpu.memory_space<vmem>> -> memref<128x32xf32, #tpu.memory_space<vmem>>
    %dma_start3A_19 = arith.constant 0 : i32
    %dma_start3A_20 = tpu.memref_slice %arg5[%dma_start3A, %dma_start3A_19] : memref<4x128xi32, #tpu.memory_space<vmem>> -> memref<1x128xi32, #tpu.memory_space<vmem>>
    %dma_start3A_21 = tpu.memref_squeeze %dma_start3A_20 : memref<1x128xi32, #tpu.memory_space<vmem>> -> memref<128xi32, #tpu.memory_space<vmem>>
    %dma_start3A_22 = arith.constant 0 : i32
    %dma_start3A_23 = arith.constant 0 : i32
    %dma_start3A_24 = tpu.memref_slice %arg2[%dma_start3A_22, %dma_start3A_23] : memref<8192x32xf32, #tpu.memory_space<hbm>> -> memref<8192x32xf32, #tpu.memory_space<hbm>>
    tpu.enqueue_indirect_dma source(%dma_start3A_24 : memref<8192x32xf32, #tpu.memory_space<hbm>>) target(%dma_start3A_18 : memref<128x32xf32, #tpu.memory_space<vmem>>) offsets(%dma_start3A_21 : memref<128xi32, #tpu.memory_space<vmem>>) semaphore(%arg7 : memref<!tpu.dma_semaphore, #tpu.memory_space<semaphore_mem>>)
    %dma_start3A_25 = arith.constant 1 : i32
    %dma_start3A_26 = arith.constant 1 : i32
    %dma_start3A_27 = arith.constant 0 : i32
    %dma_start3A_28 = arith.constant 0 : i32
    %dma_start3A_29 = tpu.memref_slice %arg6[%dma_start3A_26, %dma_start3A_27, %dma_start3A_28] : memref<4x128x32xf32, #tpu.memory_space<vmem>> -> memref<1x128x32xf32, #tpu.memory_space<vmem>>
    %dma_start3A_30 = tpu.memref_squeeze %dma_start3A_29 : memref<1x128x32xf32, #tpu.memory_space<vmem>> -> memref<128x32xf32, #tpu.memory_space<vmem>>
    %dma_start3A_31 = arith.constant 0 : i32
    %dma_start3A_32 = tpu.memref_slice %arg5[%dma_start3A_25, %dma_start3A_31] : memref<4x128xi32, #tpu.memory_space<vmem>> -> memref<1x128xi32, #tpu.memory_space<vmem>>
    %dma_start3A_33 = tpu.memref_squeeze %dma_start3A_32 : memref<1x128xi32, #tpu.memory_space<vmem>> -> memref<128xi32, #tpu.memory_space<vmem>>
    %dma_start3A_34 = arith.constant 0 : i32
    %dma_start3A_35 = arith.constant 0 : i32
    %dma_start3A_36 = tpu.memref_slice %arg2[%dma_start3A_34, %dma_start3A_35] : memref<8192x32xf32, #tpu.memory_space<hbm>> -> memref<8192x32xf32, #tpu.memory_space<hbm>>
    tpu.enqueue_indirect_dma source(%dma_start3A_36 : memref<8192x32xf32, #tpu.memory_space<hbm>>) target(%dma_start3A_30 : memref<128x32xf32, #tpu.memory_space<vmem>>) offsets(%dma_start3A_33 : memref<128xi32, #tpu.memory_space<vmem>>) semaphore(%arg7 : memref<!tpu.dma_semaphore, #tpu.memory_space<semaphore_mem>>)
    %dma_start3A_37 = arith.constant 2 : i32
    %dma_start3A_38 = arith.constant 2 : i32
    %dma_start3A_39 = arith.constant 0 : i32
    %dma_start3A_40 = arith.constant 0 : i32
    %dma_start3A_41 = tpu.memref_slice %arg6[%dma_start3A_38, %dma_start3A_39, %dma_start3A_40] : memref<4x128x32xf32, #tpu.memory_space<vmem>> -> memref<1x128x32xf32, #tpu.memory_space<vmem>>
    %dma_start3A_42 = tpu.memref_squeeze %dma_start3A_41 : memref<1x128x32xf32, #tpu.memory_space<vmem>> -> memref<128x32xf32, #tpu.memory_space<vmem>>
    %dma_start3A_43 = arith.constant 0 : i32
    %dma_start3A_44 = tpu.memref_slice %arg5[%dma_start3A_37, %dma_start3A_43] : memref<4x128xi32, #tpu.memory_space<vmem>> -> memref<1x128xi32, #tpu.memory_space<vmem>>
    %dma_start3A_45 = tpu.memref_squeeze %dma_start3A_44 : memref<1x128xi32, #tpu.memory_space<vmem>> -> memref<128xi32, #tpu.memory_space<vmem>>
    %dma_start3A_46 = arith.constant 0 : i32
    %dma_start3A_47 = arith.constant 0 : i32
    %dma_start3A_48 = tpu.memref_slice %arg2[%dma_start3A_46, %dma_start3A_47] : memref<8192x32xf32, #tpu.memory_space<hbm>> -> memref<8192x32xf32, #tpu.memory_space<hbm>>
    tpu.enqueue_indirect_dma source(%dma_start3A_48 : memref<8192x32xf32, #tpu.memory_space<hbm>>) target(%dma_start3A_42 : memref<128x32xf32, #tpu.memory_space<vmem>>) offsets(%dma_start3A_45 : memref<128xi32, #tpu.memory_space<vmem>>) semaphore(%arg7 : memref<!tpu.dma_semaphore, #tpu.memory_space<semaphore_mem>>)
    %dma_start3A_49 = arith.constant 3 : i32
    %dma_start3A_50 = arith.constant 3 : i32
    %dma_start3A_51 = arith.constant 0 : i32
    %dma_start3A_52 = arith.constant 0 : i32
    %dma_start3A_53 = tpu.memref_slice %arg6[%dma_start3A_50, %dma_start3A_51, %dma_start3A_52] : memref<4x128x32xf32, #tpu.memory_space<vmem>> -> memref<1x128x32xf32, #tpu.memory_space<vmem>>
    %dma_start3A_54 = tpu.memref_squeeze %dma_start3A_53 : memref<1x128x32xf32, #tpu.memory_space<vmem>> -> memref<128x32xf32, #tpu.memory_space<vmem>>
    %dma_start3A_55 = arith.constant 0 : i32
    %dma_start3A_56 = tpu.memref_slice %arg5[%dma_start3A_49, %dma_start3A_55] : memref<4x128xi32, #tpu.memory_space<vmem>> -> memref<1x128xi32, #tpu.memory_space<vmem>>
    %dma_start3A_57 = tpu.memref_squeeze %dma_start3A_56 : memref<1x128xi32, #tpu.memory_space<vmem>> -> memref<128xi32, #tpu.memory_space<vmem>>
    %dma_start3A_58 = arith.constant 0 : i32
    %dma_start3A_59 = arith.constant 0 : i32
    %dma_start3A_60 = tpu.memref_slice %arg2[%dma_start3A_58, %dma_start3A_59] : memref<8192x32xf32, #tpu.memory_space<hbm>> -> memref<8192x32xf32, #tpu.memory_space<hbm>>
    tpu.enqueue_indirect_dma source(%dma_start3A_60 : memref<8192x32xf32, #tpu.memory_space<hbm>>) target(%dma_start3A_54 : memref<128x32xf32, #tpu.memory_space<vmem>>) offsets(%dma_start3A_57 : memref<128xi32, #tpu.memory_space<vmem>>) semaphore(%arg7 : memref<!tpu.dma_semaphore, #tpu.memory_space<semaphore_mem>>)
    %dma_wait3A = arith.constant 0 : i32
    %dma_wait3A_61 = arith.constant 0 : i32
    %dma_wait3A_62 = arith.constant 0 : i32
    %dma_wait3A_63 = arith.constant 0 : i32
    %dma_wait3A_64 = tpu.memref_slice %arg6[%dma_wait3A_61, %dma_wait3A_62, %dma_wait3A_63] : memref<4x128x32xf32, #tpu.memory_space<vmem>> -> memref<1x128x32xf32, #tpu.memory_space<vmem>>
    %dma_wait3A_65 = tpu.memref_squeeze %dma_wait3A_64 : memref<1x128x32xf32, #tpu.memory_space<vmem>> -> memref<128x32xf32, #tpu.memory_space<vmem>>
    %dma_wait3A_66 = arith.constant 0 : i32
    %dma_wait3A_67 = tpu.memref_slice %arg5[%dma_wait3A, %dma_wait3A_66] : memref<4x128xi32, #tpu.memory_space<vmem>> -> memref<1x128xi32, #tpu.memory_space<vmem>>
    %dma_wait3A_68 = tpu.memref_squeeze %dma_wait3A_67 : memref<1x128xi32, #tpu.memory_space<vmem>> -> memref<128xi32, #tpu.memory_space<vmem>>
    %dma_wait3A_69 = arith.constant 0 : i32
    %dma_wait3A_70 = arith.constant 0 : i32
    %dma_wait3A_71 = tpu.memref_slice %arg2[%dma_wait3A_69, %dma_wait3A_70] : memref<8192x32xf32, #tpu.memory_space<hbm>> -> memref<8192x32xf32, #tpu.memory_space<hbm>>
    tpu.wait_indirect_dma semaphore(%arg7 : memref<!tpu.dma_semaphore, #tpu.memory_space<semaphore_mem>>) src(%dma_wait3A_71 : memref<8192x32xf32, #tpu.memory_space<hbm>>) dst(%dma_wait3A_65 : memref<128x32xf32, #tpu.memory_space<vmem>>)
    %dma_wait3A_72 = arith.constant 1 : i32
    %dma_wait3A_73 = arith.constant 1 : i32
    %dma_wait3A_74 = arith.constant 0 : i32
    %dma_wait3A_75 = arith.constant 0 : i32
    %dma_wait3A_76 = tpu.memref_slice %arg6[%dma_wait3A_73, %dma_wait3A_74, %dma_wait3A_75] : memref<4x128x32xf32, #tpu.memory_space<vmem>> -> memref<1x128x32xf32, #tpu.memory_space<vmem>>
    %dma_wait3A_77 = tpu.memref_squeeze %dma_wait3A_76 : memref<1x128x32xf32, #tpu.memory_space<vmem>> -> memref<128x32xf32, #tpu.memory_space<vmem>>
    %dma_wait3A_78 = arith.constant 0 : i32
    %dma_wait3A_79 = tpu.memref_slice %arg5[%dma_wait3A_72, %dma_wait3A_78] : memref<4x128xi32, #tpu.memory_space<vmem>> -> memref<1x128xi32, #tpu.memory_space<vmem>>
    %dma_wait3A_80 = tpu.memref_squeeze %dma_wait3A_79 : memref<1x128xi32, #tpu.memory_space<vmem>> -> memref<128xi32, #tpu.memory_space<vmem>>
    %dma_wait3A_81 = arith.constant 0 : i32
    %dma_wait3A_82 = arith.constant 0 : i32
    %dma_wait3A_83 = tpu.memref_slice %arg2[%dma_wait3A_81, %dma_wait3A_82] : memref<8192x32xf32, #tpu.memory_space<hbm>> -> memref<8192x32xf32, #tpu.memory_space<hbm>>
    tpu.wait_indirect_dma semaphore(%arg7 : memref<!tpu.dma_semaphore, #tpu.memory_space<semaphore_mem>>) src(%dma_wait3A_83 : memref<8192x32xf32, #tpu.memory_space<hbm>>) dst(%dma_wait3A_77 : memref<128x32xf32, #tpu.memory_space<vmem>>)
    %dma_wait3A_84 = arith.constant 2 : i32
    %dma_wait3A_85 = arith.constant 2 : i32
    %dma_wait3A_86 = arith.constant 0 : i32
    %dma_wait3A_87 = arith.constant 0 : i32
    %dma_wait3A_88 = tpu.memref_slice %arg6[%dma_wait3A_85, %dma_wait3A_86, %dma_wait3A_87] : memref<4x128x32xf32, #tpu.memory_space<vmem>> -> memref<1x128x32xf32, #tpu.memory_space<vmem>>
    %dma_wait3A_89 = tpu.memref_squeeze %dma_wait3A_88 : memref<1x128x32xf32, #tpu.memory_space<vmem>> -> memref<128x32xf32, #tpu.memory_space<vmem>>
    %dma_wait3A_90 = arith.constant 0 : i32
    %dma_wait3A_91 = tpu.memref_slice %arg5[%dma_wait3A_84, %dma_wait3A_90] : memref<4x128xi32, #tpu.memory_space<vmem>> -> memref<1x128xi32, #tpu.memory_space<vmem>>
    %dma_wait3A_92 = tpu.memref_squeeze %dma_wait3A_91 : memref<1x128xi32, #tpu.memory_space<vmem>> -> memref<128xi32, #tpu.memory_space<vmem>>
    %dma_wait3A_93 = arith.constant 0 : i32
    %dma_wait3A_94 = arith.constant 0 : i32
    %dma_wait3A_95 = tpu.memref_slice %arg2[%dma_wait3A_93, %dma_wait3A_94] : memref<8192x32xf32, #tpu.memory_space<hbm>> -> memref<8192x32xf32, #tpu.memory_space<hbm>>
    tpu.wait_indirect_dma semaphore(%arg7 : memref<!tpu.dma_semaphore, #tpu.memory_space<semaphore_mem>>) src(%dma_wait3A_95 : memref<8192x32xf32, #tpu.memory_space<hbm>>) dst(%dma_wait3A_89 : memref<128x32xf32, #tpu.memory_space<vmem>>)
    %dma_wait3A_96 = arith.constant 3 : i32
    %dma_wait3A_97 = arith.constant 3 : i32
    %dma_wait3A_98 = arith.constant 0 : i32
    %dma_wait3A_99 = arith.constant 0 : i32
    %dma_wait3A_100 = tpu.memref_slice %arg6[%dma_wait3A_97, %dma_wait3A_98, %dma_wait3A_99] : memref<4x128x32xf32, #tpu.memory_space<vmem>> -> memref<1x128x32xf32, #tpu.memory_space<vmem>>
    %dma_wait3A_101 = tpu.memref_squeeze %dma_wait3A_100 : memref<1x128x32xf32, #tpu.memory_space<vmem>> -> memref<128x32xf32, #tpu.memory_space<vmem>>
    %dma_wait3A_102 = arith.constant 0 : i32
    %dma_wait3A_103 = tpu.memref_slice %arg5[%dma_wait3A_96, %dma_wait3A_102] : memref<4x128xi32, #tpu.memory_space<vmem>> -> memref<1x128xi32, #tpu.memory_space<vmem>>
    %dma_wait3A_104 = tpu.memref_squeeze %dma_wait3A_103 : memref<1x128xi32, #tpu.memory_space<vmem>> -> memref<128xi32, #tpu.memory_space<vmem>>
    %dma_wait3A_105 = arith.constant 0 : i32
    %dma_wait3A_106 = arith.constant 0 : i32
    %dma_wait3A_107 = tpu.memref_slice %arg2[%dma_wait3A_105, %dma_wait3A_106] : memref<8192x32xf32, #tpu.memory_space<hbm>> -> memref<8192x32xf32, #tpu.memory_space<hbm>>
    tpu.wait_indirect_dma semaphore(%arg7 : memref<!tpu.dma_semaphore, #tpu.memory_space<semaphore_mem>>) src(%dma_wait3A_107 : memref<8192x32xf32, #tpu.memory_space<hbm>>) dst(%dma_wait3A_101 : memref<128x32xf32, #tpu.memory_space<vmem>>)
    %add3A_108 = arith.constant 0 : i32
    %add3A_109 = arith.addi %mul3A_2, %add3A_108 : i32
    %run_scoped3A_110 = arith.constant 0 : i32
    "tpu.region"() ({
      %run_scoped3A_120 = tpu.sem_alloc : memref<!tpu.dma_semaphore, #tpu.memory_space<semaphore_mem>>
      %dma_start3A_121 = arith.constant 0 : i32
      %dma_start3A_122 = arith.constant 0 : i32
      %dma_start3A_123 = tpu.memref_slice %arg6[%run_scoped3A_110, %dma_start3A_121, %dma_start3A_122] : memref<4x128x32xf32, #tpu.memory_space<vmem>> -> memref<1x128x32xf32, #tpu.memory_space<vmem>>
      %dma_start3A_124 = tpu.memref_squeeze %dma_start3A_123 : memref<1x128x32xf32, #tpu.memory_space<vmem>> -> memref<128x32xf32, #tpu.memory_space<vmem>>
      %dma_start3A_125 = arith.constant 0 : i32
      %dma_start3A_126 = tpu.memref_slice %arg4[%add3A_109, %dma_start3A_125] : memref<16384x32xf32, #tpu.memory_space<hbm>> -> memref<128x32xf32, #tpu.memory_space<hbm>>
      %dma_start3A_127 = arith.constant 0 : i32
      %dma_start3A_128 = tpu.memref_slice %arg4[%add3A_109, %dma_start3A_127] : memref<16384x32xf32, #tpu.memory_space<hbm>> -> memref<128x32xf32, #tpu.memory_space<hbm>>
      %dma_start3A_129 = arith.constant 0 : i32
      %dma_start3A_130 = arith.constant 0 : i32
      %dma_start3A_131 = tpu.memref_slice %arg6[%run_scoped3A_110, %dma_start3A_129, %dma_start3A_130] : memref<4x128x32xf32, #tpu.memory_space<vmem>> -> memref<1x128x32xf32, #tpu.memory_space<vmem>>
      %dma_start3A_132 = tpu.memref_squeeze %dma_start3A_131 : memref<1x128x32xf32, #tpu.memory_space<vmem>> -> memref<128x32xf32, #tpu.memory_space<vmem>>
      tpu.enqueue_dma source(%dma_start3A_132 : memref<128x32xf32, #tpu.memory_space<vmem>>) target(%dma_start3A_128 : memref<128x32xf32, #tpu.memory_space<hbm>>) target_semaphore(%run_scoped3A_120 : memref<!tpu.dma_semaphore, #tpu.memory_space<semaphore_mem>>)
      %dma_wait3A_133 = arith.constant 0 : i32
      %dma_wait3A_134 = arith.constant 0 : i32
      %dma_wait3A_135 = tpu.memref_slice %arg6[%run_scoped3A_110, %dma_wait3A_133, %dma_wait3A_134] : memref<4x128x32xf32, #tpu.memory_space<vmem>> -> memref<1x128x32xf32, #tpu.memory_space<vmem>>
      %dma_wait3A_136 = tpu.memref_squeeze %dma_wait3A_135 : memref<1x128x32xf32, #tpu.memory_space<vmem>> -> memref<128x32xf32, #tpu.memory_space<vmem>>
      %dma_wait3A_137 = arith.constant 0 : i32
      %dma_wait3A_138 = tpu.memref_slice %arg4[%add3A_109, %dma_wait3A_137] : memref<16384x32xf32, #tpu.memory_space<hbm>> -> memref<128x32xf32, #tpu.memory_space<hbm>>
      %dma_wait3A_139 = arith.constant 0 : i32
      %dma_wait3A_140 = tpu.memref_slice %arg4[%add3A_109, %dma_wait3A_139] : memref<16384x32xf32, #tpu.memory_space<hbm>> -> memref<128x32xf32, #tpu.memory_space<hbm>>
      %dma_wait3A_141 = arith.constant 0 : i32
      %dma_wait3A_142 = arith.constant 0 : i32
      %dma_wait3A_143 = tpu.memref_slice %arg6[%run_scoped3A_110, %dma_wait3A_141, %dma_wait3A_142] : memref<4x128x32xf32, #tpu.memory_space<vmem>> -> memref<1x128x32xf32, #tpu.memory_space<vmem>>
      %dma_wait3A_144 = tpu.memref_squeeze %dma_wait3A_143 : memref<1x128x32xf32, #tpu.memory_space<vmem>> -> memref<128x32xf32, #tpu.memory_space<vmem>>
      tpu.wait_dma2 semaphore(%run_scoped3A_120 : memref<!tpu.dma_semaphore, #tpu.memory_space<semaphore_mem>>) src(%dma_wait3A_144 : memref<128x32xf32, #tpu.memory_space<vmem>>) dst(%dma_wait3A_140 : memref<128x32xf32, #tpu.memory_space<hbm>>)
      tpu.yield
    }) : () -> ()
    %add3A_111 = arith.constant 128 : i32
    %add3A_112 = arith.addi %mul3A_2, %add3A_111 : i32
    %run_scoped3A_113 = arith.constant 1 : i32
    "tpu.region"() ({
      %run_scoped3A_120 = tpu.sem_alloc : memref<!tpu.dma_semaphore, #tpu.memory_space<semaphore_mem>>
      %dma_start3A_121 = arith.constant 0 : i32
      %dma_start3A_122 = arith.constant 0 : i32
      %dma_start3A_123 = tpu.memref_slice %arg6[%run_scoped3A_113, %dma_start3A_121, %dma_start3A_122] : memref<4x128x32xf32, #tpu.memory_space<vmem>> -> memref<1x128x32xf32, #tpu.memory_space<vmem>>
      %dma_start3A_124 = tpu.memref_squeeze %dma_start3A_123 : memref<1x128x32xf32, #tpu.memory_space<vmem>> -> memref<128x32xf32, #tpu.memory_space<vmem>>
      %dma_start3A_125 = arith.constant 0 : i32
      %dma_start3A_126 = tpu.memref_slice %arg4[%add3A_112, %dma_start3A_125] : memref<16384x32xf32, #tpu.memory_space<hbm>> -> memref<128x32xf32, #tpu.memory_space<hbm>>
      %dma_start3A_127 = arith.constant 0 : i32
      %dma_start3A_128 = tpu.memref_slice %arg4[%add3A_112, %dma_start3A_127] : memref<16384x32xf32, #tpu.memory_space<hbm>> -> memref<128x32xf32, #tpu.memory_space<hbm>>
      %dma_start3A_129 = arith.constant 0 : i32
      %dma_start3A_130 = arith.constant 0 : i32
      %dma_start3A_131 = tpu.memref_slice %arg6[%run_scoped3A_113, %dma_start3A_129, %dma_start3A_130] : memref<4x128x32xf32, #tpu.memory_space<vmem>> -> memref<1x128x32xf32, #tpu.memory_space<vmem>>
      %dma_start3A_132 = tpu.memref_squeeze %dma_start3A_131 : memref<1x128x32xf32, #tpu.memory_space<vmem>> -> memref<128x32xf32, #tpu.memory_space<vmem>>
      tpu.enqueue_dma source(%dma_start3A_132 : memref<128x32xf32, #tpu.memory_space<vmem>>) target(%dma_start3A_128 : memref<128x32xf32, #tpu.memory_space<hbm>>) target_semaphore(%run_scoped3A_120 : memref<!tpu.dma_semaphore, #tpu.memory_space<semaphore_mem>>)
      %dma_wait3A_133 = arith.constant 0 : i32
      %dma_wait3A_134 = arith.constant 0 : i32
      %dma_wait3A_135 = tpu.memref_slice %arg6[%run_scoped3A_113, %dma_wait3A_133, %dma_wait3A_134] : memref<4x128x32xf32, #tpu.memory_space<vmem>> -> memref<1x128x32xf32, #tpu.memory_space<vmem>>
      %dma_wait3A_136 = tpu.memref_squeeze %dma_wait3A_135 : memref<1x128x32xf32, #tpu.memory_space<vmem>> -> memref<128x32xf32, #tpu.memory_space<vmem>>
      %dma_wait3A_137 = arith.constant 0 : i32
      %dma_wait3A_138 = tpu.memref_slice %arg4[%add3A_112, %dma_wait3A_137] : memref<16384x32xf32, #tpu.memory_space<hbm>> -> memref<128x32xf32, #tpu.memory_space<hbm>>
      %dma_wait3A_139 = arith.constant 0 : i32
      %dma_wait3A_140 = tpu.memref_slice %arg4[%add3A_112, %dma_wait3A_139] : memref<16384x32xf32, #tpu.memory_space<hbm>> -> memref<128x32xf32, #tpu.memory_space<hbm>>
      %dma_wait3A_141 = arith.constant 0 : i32
      %dma_wait3A_142 = arith.constant 0 : i32
      %dma_wait3A_143 = tpu.memref_slice %arg6[%run_scoped3A_113, %dma_wait3A_141, %dma_wait3A_142] : memref<4x128x32xf32, #tpu.memory_space<vmem>> -> memref<1x128x32xf32, #tpu.memory_space<vmem>>
      %dma_wait3A_144 = tpu.memref_squeeze %dma_wait3A_143 : memref<1x128x32xf32, #tpu.memory_space<vmem>> -> memref<128x32xf32, #tpu.memory_space<vmem>>
      tpu.wait_dma2 semaphore(%run_scoped3A_120 : memref<!tpu.dma_semaphore, #tpu.memory_space<semaphore_mem>>) src(%dma_wait3A_144 : memref<128x32xf32, #tpu.memory_space<vmem>>) dst(%dma_wait3A_140 : memref<128x32xf32, #tpu.memory_space<hbm>>)
      tpu.yield
    }) : () -> ()
    %add3A_114 = arith.constant 256 : i32
    %add3A_115 = arith.addi %mul3A_2, %add3A_114 : i32
    %run_scoped3A_116 = arith.constant 2 : i32
    "tpu.region"() ({
      %run_scoped3A_120 = tpu.sem_alloc : memref<!tpu.dma_semaphore, #tpu.memory_space<semaphore_mem>>
      %dma_start3A_121 = arith.constant 0 : i32
      %dma_start3A_122 = arith.constant 0 : i32
      %dma_start3A_123 = tpu.memref_slice %arg6[%run_scoped3A_116, %dma_start3A_121, %dma_start3A_122] : memref<4x128x32xf32, #tpu.memory_space<vmem>> -> memref<1x128x32xf32, #tpu.memory_space<vmem>>
      %dma_start3A_124 = tpu.memref_squeeze %dma_start3A_123 : memref<1x128x32xf32, #tpu.memory_space<vmem>> -> memref<128x32xf32, #tpu.memory_space<vmem>>
      %dma_start3A_125 = arith.constant 0 : i32
      %dma_start3A_126 = tpu.memref_slice %arg4[%add3A_115, %dma_start3A_125] : memref<16384x32xf32, #tpu.memory_space<hbm>> -> memref<128x32xf32, #tpu.memory_space<hbm>>
      %dma_start3A_127 = arith.constant 0 : i32
      %dma_start3A_128 = tpu.memref_slice %arg4[%add3A_115, %dma_start3A_127] : memref<16384x32xf32, #tpu.memory_space<hbm>> -> memref<128x32xf32, #tpu.memory_space<hbm>>
      %dma_start3A_129 = arith.constant 0 : i32
      %dma_start3A_130 = arith.constant 0 : i32
      %dma_start3A_131 = tpu.memref_slice %arg6[%run_scoped3A_116, %dma_start3A_129, %dma_start3A_130] : memref<4x128x32xf32, #tpu.memory_space<vmem>> -> memref<1x128x32xf32, #tpu.memory_space<vmem>>
      %dma_start3A_132 = tpu.memref_squeeze %dma_start3A_131 : memref<1x128x32xf32, #tpu.memory_space<vmem>> -> memref<128x32xf32, #tpu.memory_space<vmem>>
      tpu.enqueue_dma source(%dma_start3A_132 : memref<128x32xf32, #tpu.memory_space<vmem>>) target(%dma_start3A_128 : memref<128x32xf32, #tpu.memory_space<hbm>>) target_semaphore(%run_scoped3A_120 : memref<!tpu.dma_semaphore, #tpu.memory_space<semaphore_mem>>)
      %dma_wait3A_133 = arith.constant 0 : i32
      %dma_wait3A_134 = arith.constant 0 : i32
      %dma_wait3A_135 = tpu.memref_slice %arg6[%run_scoped3A_116, %dma_wait3A_133, %dma_wait3A_134] : memref<4x128x32xf32, #tpu.memory_space<vmem>> -> memref<1x128x32xf32, #tpu.memory_space<vmem>>
      %dma_wait3A_136 = tpu.memref_squeeze %dma_wait3A_135 : memref<1x128x32xf32, #tpu.memory_space<vmem>> -> memref<128x32xf32, #tpu.memory_space<vmem>>
      %dma_wait3A_137 = arith.constant 0 : i32
      %dma_wait3A_138 = tpu.memref_slice %arg4[%add3A_115, %dma_wait3A_137] : memref<16384x32xf32, #tpu.memory_space<hbm>> -> memref<128x32xf32, #tpu.memory_space<hbm>>
      %dma_wait3A_139 = arith.constant 0 : i32
      %dma_wait3A_140 = tpu.memref_slice %arg4[%add3A_115, %dma_wait3A_139] : memref<16384x32xf32, #tpu.memory_space<hbm>> -> memref<128x32xf32, #tpu.memory_space<hbm>>
      %dma_wait3A_141 = arith.constant 0 : i32
      %dma_wait3A_142 = arith.constant 0 : i32
      %dma_wait3A_143 = tpu.memref_slice %arg6[%run_scoped3A_116, %dma_wait3A_141, %dma_wait3A_142] : memref<4x128x32xf32, #tpu.memory_space<vmem>> -> memref<1x128x32xf32, #tpu.memory_space<vmem>>
      %dma_wait3A_144 = tpu.memref_squeeze %dma_wait3A_143 : memref<1x128x32xf32, #tpu.memory_space<vmem>> -> memref<128x32xf32, #tpu.memory_space<vmem>>
      tpu.wait_dma2 semaphore(%run_scoped3A_120 : memref<!tpu.dma_semaphore, #tpu.memory_space<semaphore_mem>>) src(%dma_wait3A_144 : memref<128x32xf32, #tpu.memory_space<vmem>>) dst(%dma_wait3A_140 : memref<128x32xf32, #tpu.memory_space<hbm>>)
      tpu.yield
    }) : () -> ()
    %add3A_117 = arith.constant 384 : i32
    %add3A_118 = arith.addi %mul3A_2, %add3A_117 : i32
    %run_scoped3A_119 = arith.constant 3 : i32
    "tpu.region"() ({
      %run_scoped3A_120 = tpu.sem_alloc : memref<!tpu.dma_semaphore, #tpu.memory_space<semaphore_mem>>
      %dma_start3A_121 = arith.constant 0 : i32
      %dma_start3A_122 = arith.constant 0 : i32
      %dma_start3A_123 = tpu.memref_slice %arg6[%run_scoped3A_119, %dma_start3A_121, %dma_start3A_122] : memref<4x128x32xf32, #tpu.memory_space<vmem>> -> memref<1x128x32xf32, #tpu.memory_space<vmem>>
      %dma_start3A_124 = tpu.memref_squeeze %dma_start3A_123 : memref<1x128x32xf32, #tpu.memory_space<vmem>> -> memref<128x32xf32, #tpu.memory_space<vmem>>
      %dma_start3A_125 = arith.constant 0 : i32
      %dma_start3A_126 = tpu.memref_slice %arg4[%add3A_118, %dma_start3A_125] : memref<16384x32xf32, #tpu.memory_space<hbm>> -> memref<128x32xf32, #tpu.memory_space<hbm>>
      %dma_start3A_127 = arith.constant 0 : i32
      %dma_start3A_128 = tpu.memref_slice %arg4[%add3A_118, %dma_start3A_127] : memref<16384x32xf32, #tpu.memory_space<hbm>> -> memref<128x32xf32, #tpu.memory_space<hbm>>
      %dma_start3A_129 = arith.constant 0 : i32
      %dma_start3A_130 = arith.constant 0 : i32
      %dma_start3A_131 = tpu.memref_slice %arg6[%run_scoped3A_119, %dma_start3A_129, %dma_start3A_130] : memref<4x128x32xf32, #tpu.memory_space<vmem>> -> memref<1x128x32xf32, #tpu.memory_space<vmem>>
      %dma_start3A_132 = tpu.memref_squeeze %dma_start3A_131 : memref<1x128x32xf32, #tpu.memory_space<vmem>> -> memref<128x32xf32, #tpu.memory_space<vmem>>
      tpu.enqueue_dma source(%dma_start3A_132 : memref<128x32xf32, #tpu.memory_space<vmem>>) target(%dma_start3A_128 : memref<128x32xf32, #tpu.memory_space<hbm>>) target_semaphore(%run_scoped3A_120 : memref<!tpu.dma_semaphore, #tpu.memory_space<semaphore_mem>>)
      %dma_wait3A_133 = arith.constant 0 : i32
      %dma_wait3A_134 = arith.constant 0 : i32
      %dma_wait3A_135 = tpu.memref_slice %arg6[%run_scoped3A_119, %dma_wait3A_133, %dma_wait3A_134] : memref<4x128x32xf32, #tpu.memory_space<vmem>> -> memref<1x128x32xf32, #tpu.memory_space<vmem>>
      %dma_wait3A_136 = tpu.memref_squeeze %dma_wait3A_135 : memref<1x128x32xf32, #tpu.memory_space<vmem>> -> memref<128x32xf32, #tpu.memory_space<vmem>>
      %dma_wait3A_137 = arith.constant 0 : i32
      %dma_wait3A_138 = tpu.memref_slice %arg4[%add3A_118, %dma_wait3A_137] : memref<16384x32xf32, #tpu.memory_space<hbm>> -> memref<128x32xf32, #tpu.memory_space<hbm>>
      %dma_wait3A_139 = arith.constant 0 : i32
      %dma_wait3A_140 = tpu.memref_slice %arg4[%add3A_118, %dma_wait3A_139] : memref<16384x32xf32, #tpu.memory_space<hbm>> -> memref<128x32xf32, #tpu.memory_space<hbm>>
      %dma_wait3A_141 = arith.constant 0 : i32
      %dma_wait3A_142 = arith.constant 0 : i32
      %dma_wait3A_143 = tpu.memref_slice %arg6[%run_scoped3A_119, %dma_wait3A_141, %dma_wait3A_142] : memref<4x128x32xf32, #tpu.memory_space<vmem>> -> memref<1x128x32xf32, #tpu.memory_space<vmem>>
      %dma_wait3A_144 = tpu.memref_squeeze %dma_wait3A_143 : memref<1x128x32xf32, #tpu.memory_space<vmem>> -> memref<128x32xf32, #tpu.memory_space<vmem>>
      tpu.wait_dma2 semaphore(%run_scoped3A_120 : memref<!tpu.dma_semaphore, #tpu.memory_space<semaphore_mem>>) src(%dma_wait3A_144 : memref<128x32xf32, #tpu.memory_space<vmem>>) dst(%dma_wait3A_140 : memref<128x32xf32, #tpu.memory_space<hbm>>)
      tpu.yield
    }) : () -> ()
    return
  }
}

module attributes {stable_mosaic.version = 14 : i64} {
  func.func @_vq_tc_body(%arg0: i32, %arg1: memref<256x32xf32, #tpu.memory_space<vmem>>, %arg2: memref<8192x32xf32, #tpu.memory_space<vmem>>, %arg3: memref<256x1xf32, #tpu.memory_space<vmem>>, %arg4: memref<1x8192xf32, #tpu.memory_space<vmem>>, %arg5: memref<256xi32, #tpu.memory_space<vmem>>, %arg6: memref<1x1xf32, #tpu.memory_space<vmem>>) attributes {dimension_semantics = [#tpu.dimension_semantics<arbitrary>], iteration_bounds = array<i64: 64>, scalar_prefetch = 0 : i64, scratch_operands = 0 : i64, tpu.core_type = #tpu.core_type<tc>, window_params = [{transform_indices = @transform_0, window_bounds = array<i64: 256, 32>}, {pipeline_mode = #tpu.pipeline_mode<synchronous>, transform_indices = @transform_1, window_bounds = array<i64: 8192, 32>}, {transform_indices = @transform_2, window_bounds = array<i64: 256, 1>}, {pipeline_mode = #tpu.pipeline_mode<synchronous>, transform_indices = @transform_3, window_bounds = array<i64: 1, 8192>}, {transform_indices = @transform_4, window_bounds = array<i64: 256>}, {pipeline_mode = #tpu.pipeline_mode<synchronous>, transform_indices = @transform_5, window_bounds = array<i64: 1, 1>}]} {
    %eq3A = arith.constant 0 : i32
    %eq3A_0 = arith.cmpi eq, %arg0, %eq3A : i32
    %convert_element_type3A = arith.extui %eq3A_0 : i1 to i32
    %cond3A = arith.constant 0 : i32
    %cond3A_1 = arith.cmpi ne, %convert_element_type3A, %cond3A : i32
    scf.if %cond3A_1 {
      %broadcast_in_dim3A_1505 = arith.constant 0.000000e+00 : f32
      %broadcast_in_dim3A_1506 = vector.broadcast %broadcast_in_dim3A_1505 : f32 to vector<1x1xf32>
      %swap3A_1507 = arith.constant 0 : index
      %swap3A_1508 = arith.constant 0 : index
      %swap3A_1509 = vector.load %arg6[%swap3A_1507, %swap3A_1508] : memref<1x1xf32, #tpu.memory_space<vmem>>, vector<1x1xf32>
      tpu.vector_store %arg6[%swap3A_1507, %swap3A_1508], %broadcast_in_dim3A_1506 {strides = array<i32>} : memref<1x1xf32, #tpu.memory_space<vmem>>, vector<1x1xf32>,
    } else {
    }
    %get3A = arith.constant 0 : index
    %get3A_2 = arith.constant 0 : index
    %get3A_3 = vector.load %arg1[%get3A, %get3A_2] : memref<256x32xf32, #tpu.memory_space<vmem>>, vector<256x32xf32>
    %get3A_4 = arith.constant 0 : index
    %get3A_5 = arith.constant 0 : index
    %get3A_6 = vector.load %arg3[%get3A_4, %get3A_5] : memref<256x1xf32, #tpu.memory_space<vmem>>, vector<256x1xf32>
    %add3A = arith.addf %get3A_3, %get3A_3 : vector<256x32xf32>
    %get3A_7 = arith.constant 0 : index
    %get3A_8 = arith.constant 0 : index
    %get3A_9 = vector.load %arg2[%get3A_7, %get3A_8] : memref<8192x32xf32, #tpu.memory_space<vmem>>, vector<8192x32xf32>
    %dot_general3A = arith.constant dense<0.000000e+00> : vector<256x8192xf32>
    %dot_general3A_10 = tpu.matmul %add3A, %get3A_9, %dot_general3A {dimension_numbers = #tpu.dot_dimension_numbers<[1], [1], [0], [0], [0, 0, 1, 0], [], []>, transpose_lhs_hint = false} : vector<256x32xf32>, vector<8192x32xf32>, vector<256x8192xf32> -> vector<256x8192xf32>
    %get3A_11 = arith.constant 0 : index
    %get3A_12 = arith.constant 0 : index
    %get3A_13 = vector.load %arg4[%get3A_11, %get3A_12] : memref<1x8192xf32, #tpu.memory_space<vmem>>, vector<1x8192xf32>
    %iota3A = tpu.iota {dimensions = array<i32: 1>} : vector<1x128xi32>
    %convert_element_type3A_14 = arith.sitofp %iota3A : vector<1x128xi32> to vector<1x128xf32>
    %broadcast_in_dim3A = arith.constant 0.000000e+00 : f32
    %broadcast_in_dim3A_15 = vector.broadcast %broadcast_in_dim3A : f32 to vector<1x1xf32>
    %slice3A = vector.extract_strided_slice %get3A_6 {offsets = [0, 0], sizes = [128, 1], strides = [1, 1]} : vector<256x1xf32> to vector<128x1xf32>
    %slice3A_16 = vector.extract_strided_slice %dot_general3A_10 {offsets = [0, 0], sizes = [128, 8192], strides = [1, 1]} : vector<256x8192xf32> to vector<128x8192xf32>
    %slice3A_17 = vector.extract_strided_slice %slice3A_16 {offsets = [0, 0], sizes = [128, 128], strides = [1, 1]} : vector<128x8192xf32> to vector<128x128xf32>
    %sub3A = vector.broadcast %slice3A : vector<128x1xf32> to vector<128x128xf32>
    %sub3A_18 = arith.subf %sub3A, %slice3A_17 : vector<128x128xf32>
    %slice3A_19 = vector.extract_strided_slice %get3A_13 {offsets = [0, 0], sizes = [1, 128], strides = [1, 1]} : vector<1x8192xf32> to vector<1x128xf32>
    %add3A_20 = vector.broadcast %slice3A_19 : vector<1x128xf32> to vector<128x128xf32>
    %add3A_21 = arith.addf %sub3A_18, %add3A_20 : vector<128x128xf32>
    %broadcast_in_dim3A_22 = arith.constant 0.000000e+00 : f32
    %broadcast_in_dim3A_23 = vector.broadcast %broadcast_in_dim3A_22 : f32 to vector<128x128xf32>
    %slice3A_24 = vector.extract_strided_slice %slice3A_16 {offsets = [0, 128], sizes = [128, 128], strides = [1, 1]} : vector<128x8192xf32> to vector<128x128xf32>
    %sub3A_25 = vector.broadcast %slice3A : vector<128x1xf32> to vector<128x128xf32>
    %sub3A_26 = arith.subf %sub3A_25, %slice3A_24 : vector<128x128xf32>
    %slice3A_27 = vector.extract_strided_slice %get3A_13 {offsets = [0, 128], sizes = [1, 128], strides = [1, 1]} : vector<1x8192xf32> to vector<1x128xf32>
    %add3A_28 = vector.broadcast %slice3A_27 : vector<1x128xf32> to vector<128x128xf32>
    %add3A_29 = arith.addf %sub3A_26, %add3A_28 : vector<128x128xf32>
    %lt3A = arith.cmpf olt, %add3A_29, %add3A_21 : vector<128x128xf32>
    %jit3A = arith.constant 1.280000e+02 : f32
    %broadcast_in_dim3A_30 = vector.broadcast %jit3A : f32 to vector<128x128xf32>
    %select_n3A = arith.select %lt3A, %broadcast_in_dim3A_30, %broadcast_in_dim3A_23 : vector<128x128xi1>, vector<128x128xf32>
    %min3A = arith.minimumf %add3A_21, %add3A_29 : vector<128x128xf32>
    %slice3A_31 = vector.extract_strided_slice %slice3A_16 {offsets = [0, 256], sizes = [128, 128], strides = [1, 1]} : vector<128x8192xf32> to vector<128x128xf32>
    %sub3A_32 = vector.broadcast %slice3A : vector<128x1xf32> to vector<128x128xf32>
    %sub3A_33 = arith.subf %sub3A_32, %slice3A_31 : vector<128x128xf32>
    %slice3A_34 = vector.extract_strided_slice %get3A_13 {offsets = [0, 256], sizes = [1, 128], strides = [1, 1]} : vector<1x8192xf32> to vector<1x128xf32>
    %add3A_35 = vector.broadcast %slice3A_34 : vector<1x128xf32> to vector<128x128xf32>
    %add3A_36 = arith.addf %sub3A_33, %add3A_35 : vector<128x128xf32>
    %lt3A_37 = arith.cmpf olt, %add3A_36, %min3A : vector<128x128xf32>
    %jit3A_38 = arith.constant 2.560000e+02 : f32
    %broadcast_in_dim3A_39 = vector.broadcast %jit3A_38 : f32 to vector<128x128xf32>
    %select_n3A_40 = arith.select %lt3A_37, %broadcast_in_dim3A_39, %select_n3A : vector<128x128xi1>, vector<128x128xf32>
    %min3A_41 = arith.minimumf %min3A, %add3A_36 : vector<128x128xf32>
    %slice3A_42 = vector.extract_strided_slice %slice3A_16 {offsets = [0, 384], sizes = [128, 128], strides = [1, 1]} : vector<128x8192xf32> to vector<128x128xf32>
    %sub3A_43 = vector.broadcast %slice3A : vector<128x1xf32> to vector<128x128xf32>
    %sub3A_44 = arith.subf %sub3A_43, %slice3A_42 : vector<128x128xf32>
    %slice3A_45 = vector.extract_strided_slice %get3A_13 {offsets = [0, 384], sizes = [1, 128], strides = [1, 1]} : vector<1x8192xf32> to vector<1x128xf32>
    %add3A_46 = vector.broadcast %slice3A_45 : vector<1x128xf32> to vector<128x128xf32>
    %add3A_47 = arith.addf %sub3A_44, %add3A_46 : vector<128x128xf32>
    %lt3A_48 = arith.cmpf olt, %add3A_47, %min3A_41 : vector<128x128xf32>
    %jit3A_49 = arith.constant 3.840000e+02 : f32
    %broadcast_in_dim3A_50 = vector.broadcast %jit3A_49 : f32 to vector<128x128xf32>
    %select_n3A_51 = arith.select %lt3A_48, %broadcast_in_dim3A_50, %select_n3A_40 : vector<128x128xi1>, vector<128x128xf32>
    %min3A_52 = arith.minimumf %min3A_41, %add3A_47 : vector<128x128xf32>
    %slice3A_53 = vector.extract_strided_slice %slice3A_16 {offsets = [0, 512], sizes = [128, 128], strides = [1, 1]} : vector<128x8192xf32> to vector<128x128xf32>
    %sub3A_54 = vector.broadcast %slice3A : vector<128x1xf32> to vector<128x128xf32>
    %sub3A_55 = arith.subf %sub3A_54, %slice3A_53 : vector<128x128xf32>
    %slice3A_56 = vector.extract_strided_slice %get3A_13 {offsets = [0, 512], sizes = [1, 128], strides = [1, 1]} : vector<1x8192xf32> to vector<1x128xf32>
    %add3A_57 = vector.broadcast %slice3A_56 : vector<1x128xf32> to vector<128x128xf32>
    %add3A_58 = arith.addf %sub3A_55, %add3A_57 : vector<128x128xf32>
    %lt3A_59 = arith.cmpf olt, %add3A_58, %min3A_52 : vector<128x128xf32>
    %jit3A_60 = arith.constant 5.120000e+02 : f32
    %broadcast_in_dim3A_61 = vector.broadcast %jit3A_60 : f32 to vector<128x128xf32>
    %select_n3A_62 = arith.select %lt3A_59, %broadcast_in_dim3A_61, %select_n3A_51 : vector<128x128xi1>, vector<128x128xf32>
    %min3A_63 = arith.minimumf %min3A_52, %add3A_58 : vector<128x128xf32>
    %slice3A_64 = vector.extract_strided_slice %slice3A_16 {offsets = [0, 640], sizes = [128, 128], strides = [1, 1]} : vector<128x8192xf32> to vector<128x128xf32>
    %sub3A_65 = vector.broadcast %slice3A : vector<128x1xf32> to vector<128x128xf32>
    %sub3A_66 = arith.subf %sub3A_65, %slice3A_64 : vector<128x128xf32>
    %slice3A_67 = vector.extract_strided_slice %get3A_13 {offsets = [0, 640], sizes = [1, 128], strides = [1, 1]} : vector<1x8192xf32> to vector<1x128xf32>
    %add3A_68 = vector.broadcast %slice3A_67 : vector<1x128xf32> to vector<128x128xf32>
    %add3A_69 = arith.addf %sub3A_66, %add3A_68 : vector<128x128xf32>
    %lt3A_70 = arith.cmpf olt, %add3A_69, %min3A_63 : vector<128x128xf32>
    %jit3A_71 = arith.constant 6.400000e+02 : f32
    %broadcast_in_dim3A_72 = vector.broadcast %jit3A_71 : f32 to vector<128x128xf32>
    %select_n3A_73 = arith.select %lt3A_70, %broadcast_in_dim3A_72, %select_n3A_62 : vector<128x128xi1>, vector<128x128xf32>
    %min3A_74 = arith.minimumf %min3A_63, %add3A_69 : vector<128x128xf32>
    %slice3A_75 = vector.extract_strided_slice %slice3A_16 {offsets = [0, 768], sizes = [128, 128], strides = [1, 1]} : vector<128x8192xf32> to vector<128x128xf32>
    %sub3A_76 = vector.broadcast %slice3A : vector<128x1xf32> to vector<128x128xf32>
    %sub3A_77 = arith.subf %sub3A_76, %slice3A_75 : vector<128x128xf32>
    %slice3A_78 = vector.extract_strided_slice %get3A_13 {offsets = [0, 768], sizes = [1, 128], strides = [1, 1]} : vector<1x8192xf32> to vector<1x128xf32>
    %add3A_79 = vector.broadcast %slice3A_78 : vector<1x128xf32> to vector<128x128xf32>
    %add3A_80 = arith.addf %sub3A_77, %add3A_79 : vector<128x128xf32>
    %lt3A_81 = arith.cmpf olt, %add3A_80, %min3A_74 : vector<128x128xf32>
    %jit3A_82 = arith.constant 7.680000e+02 : f32
    %broadcast_in_dim3A_83 = vector.broadcast %jit3A_82 : f32 to vector<128x128xf32>
    %select_n3A_84 = arith.select %lt3A_81, %broadcast_in_dim3A_83, %select_n3A_73 : vector<128x128xi1>, vector<128x128xf32>
    %min3A_85 = arith.minimumf %min3A_74, %add3A_80 : vector<128x128xf32>
    %slice3A_86 = vector.extract_strided_slice %slice3A_16 {offsets = [0, 896], sizes = [128, 128], strides = [1, 1]} : vector<128x8192xf32> to vector<128x128xf32>
    %sub3A_87 = vector.broadcast %slice3A : vector<128x1xf32> to vector<128x128xf32>
    %sub3A_88 = arith.subf %sub3A_87, %slice3A_86 : vector<128x128xf32>
    %slice3A_89 = vector.extract_strided_slice %get3A_13 {offsets = [0, 896], sizes = [1, 128], strides = [1, 1]} : vector<1x8192xf32> to vector<1x128xf32>
    %add3A_90 = vector.broadcast %slice3A_89 : vector<1x128xf32> to vector<128x128xf32>
    %add3A_91 = arith.addf %sub3A_88, %add3A_90 : vector<128x128xf32>
    %lt3A_92 = arith.cmpf olt, %add3A_91, %min3A_85 : vector<128x128xf32>
    %jit3A_93 = arith.constant 8.960000e+02 : f32
    %broadcast_in_dim3A_94 = vector.broadcast %jit3A_93 : f32 to vector<128x128xf32>
    %select_n3A_95 = arith.select %lt3A_92, %broadcast_in_dim3A_94, %select_n3A_84 : vector<128x128xi1>, vector<128x128xf32>
    %min3A_96 = arith.minimumf %min3A_85, %add3A_91 : vector<128x128xf32>
    %slice3A_97 = vector.extract_strided_slice %slice3A_16 {offsets = [0, 1024], sizes = [128, 128], strides = [1, 1]} : vector<128x8192xf32> to vector<128x128xf32>
    %sub3A_98 = vector.broadcast %slice3A : vector<128x1xf32> to vector<128x128xf32>
    %sub3A_99 = arith.subf %sub3A_98, %slice3A_97 : vector<128x128xf32>
    %slice3A_100 = vector.extract_strided_slice %get3A_13 {offsets = [0, 1024], sizes = [1, 128], strides = [1, 1]} : vector<1x8192xf32> to vector<1x128xf32>
    %add3A_101 = vector.broadcast %slice3A_100 : vector<1x128xf32> to vector<128x128xf32>
    %add3A_102 = arith.addf %sub3A_99, %add3A_101 : vector<128x128xf32>
    %lt3A_103 = arith.cmpf olt, %add3A_102, %min3A_96 : vector<128x128xf32>
    %jit3A_104 = arith.constant 1.024000e+03 : f32
    %broadcast_in_dim3A_105 = vector.broadcast %jit3A_104 : f32 to vector<128x128xf32>
    %select_n3A_106 = arith.select %lt3A_103, %broadcast_in_dim3A_105, %select_n3A_95 : vector<128x128xi1>, vector<128x128xf32>
    %min3A_107 = arith.minimumf %min3A_96, %add3A_102 : vector<128x128xf32>
    %slice3A_108 = vector.extract_strided_slice %slice3A_16 {offsets = [0, 1152], sizes = [128, 128], strides = [1, 1]} : vector<128x8192xf32> to vector<128x128xf32>
    %sub3A_109 = vector.broadcast %slice3A : vector<128x1xf32> to vector<128x128xf32>
    %sub3A_110 = arith.subf %sub3A_109, %slice3A_108 : vector<128x128xf32>
    %slice3A_111 = vector.extract_strided_slice %get3A_13 {offsets = [0, 1152], sizes = [1, 128], strides = [1, 1]} : vector<1x8192xf32> to vector<1x128xf32>
    %add3A_112 = vector.broadcast %slice3A_111 : vector<1x128xf32> to vector<128x128xf32>
    %add3A_113 = arith.addf %sub3A_110, %add3A_112 : vector<128x128xf32>
    %lt3A_114 = arith.cmpf olt, %add3A_113, %min3A_107 : vector<128x128xf32>
    %jit3A_115 = arith.constant 1.152000e+03 : f32
    %broadcast_in_dim3A_116 = vector.broadcast %jit3A_115 : f32 to vector<128x128xf32>
    %select_n3A_117 = arith.select %lt3A_114, %broadcast_in_dim3A_116, %select_n3A_106 : vector<128x128xi1>, vector<128x128xf32>
    %min3A_118 = arith.minimumf %min3A_107, %add3A_113 : vector<128x128xf32>
    %slice3A_119 = vector.extract_strided_slice %slice3A_16 {offsets = [0, 1280], sizes = [128, 128], strides = [1, 1]} : vector<128x8192xf32> to vector<128x128xf32>
    %sub3A_120 = vector.broadcast %slice3A : vector<128x1xf32> to vector<128x128xf32>
    %sub3A_121 = arith.subf %sub3A_120, %slice3A_119 : vector<128x128xf32>
    %slice3A_122 = vector.extract_strided_slice %get3A_13 {offsets = [0, 1280], sizes = [1, 128], strides = [1, 1]} : vector<1x8192xf32> to vector<1x128xf32>
    %add3A_123 = vector.broadcast %slice3A_122 : vector<1x128xf32> to vector<128x128xf32>
    %add3A_124 = arith.addf %sub3A_121, %add3A_123 : vector<128x128xf32>
    %lt3A_125 = arith.cmpf olt, %add3A_124, %min3A_118 : vector<128x128xf32>
    %jit3A_126 = arith.constant 1.280000e+03 : f32
    %broadcast_in_dim3A_127 = vector.broadcast %jit3A_126 : f32 to vector<128x128xf32>
    %select_n3A_128 = arith.select %lt3A_125, %broadcast_in_dim3A_127, %select_n3A_117 : vector<128x128xi1>, vector<128x128xf32>
    %min3A_129 = arith.minimumf %min3A_118, %add3A_124 : vector<128x128xf32>
    %slice3A_130 = vector.extract_strided_slice %slice3A_16 {offsets = [0, 1408], sizes = [128, 128], strides = [1, 1]} : vector<128x8192xf32> to vector<128x128xf32>
    %sub3A_131 = vector.broadcast %slice3A : vector<128x1xf32> to vector<128x128xf32>
    %sub3A_132 = arith.subf %sub3A_131, %slice3A_130 : vector<128x128xf32>
    %slice3A_133 = vector.extract_strided_slice %get3A_13 {offsets = [0, 1408], sizes = [1, 128], strides = [1, 1]} : vector<1x8192xf32> to vector<1x128xf32>
    %add3A_134 = vector.broadcast %slice3A_133 : vector<1x128xf32> to vector<128x128xf32>
    %add3A_135 = arith.addf %sub3A_132, %add3A_134 : vector<128x128xf32>
    %lt3A_136 = arith.cmpf olt, %add3A_135, %min3A_129 : vector<128x128xf32>
    %jit3A_137 = arith.constant 1.408000e+03 : f32
    %broadcast_in_dim3A_138 = vector.broadcast %jit3A_137 : f32 to vector<128x128xf32>
    %select_n3A_139 = arith.select %lt3A_136, %broadcast_in_dim3A_138, %select_n3A_128 : vector<128x128xi1>, vector<128x128xf32>
    %min3A_140 = arith.minimumf %min3A_129, %add3A_135 : vector<128x128xf32>
    %slice3A_141 = vector.extract_strided_slice %slice3A_16 {offsets = [0, 1536], sizes = [128, 128], strides = [1, 1]} : vector<128x8192xf32> to vector<128x128xf32>
    %sub3A_142 = vector.broadcast %slice3A : vector<128x1xf32> to vector<128x128xf32>
    %sub3A_143 = arith.subf %sub3A_142, %slice3A_141 : vector<128x128xf32>
    %slice3A_144 = vector.extract_strided_slice %get3A_13 {offsets = [0, 1536], sizes = [1, 128], strides = [1, 1]} : vector<1x8192xf32> to vector<1x128xf32>
    %add3A_145 = vector.broadcast %slice3A_144 : vector<1x128xf32> to vector<128x128xf32>
    %add3A_146 = arith.addf %sub3A_143, %add3A_145 : vector<128x128xf32>
    %lt3A_147 = arith.cmpf olt, %add3A_146, %min3A_140 : vector<128x128xf32>
    %jit3A_148 = arith.constant 1.536000e+03 : f32
    %broadcast_in_dim3A_149 = vector.broadcast %jit3A_148 : f32 to vector<128x128xf32>
    %select_n3A_150 = arith.select %lt3A_147, %broadcast_in_dim3A_149, %select_n3A_139 : vector<128x128xi1>, vector<128x128xf32>
    %min3A_151 = arith.minimumf %min3A_140, %add3A_146 : vector<128x128xf32>
    %slice3A_152 = vector.extract_strided_slice %slice3A_16 {offsets = [0, 1664], sizes = [128, 128], strides = [1, 1]} : vector<128x8192xf32> to vector<128x128xf32>
    %sub3A_153 = vector.broadcast %slice3A : vector<128x1xf32> to vector<128x128xf32>
    %sub3A_154 = arith.subf %sub3A_153, %slice3A_152 : vector<128x128xf32>
    %slice3A_155 = vector.extract_strided_slice %get3A_13 {offsets = [0, 1664], sizes = [1, 128], strides = [1, 1]} : vector<1x8192xf32> to vector<1x128xf32>
    %add3A_156 = vector.broadcast %slice3A_155 : vector<1x128xf32> to vector<128x128xf32>
    %add3A_157 = arith.addf %sub3A_154, %add3A_156 : vector<128x128xf32>
    %lt3A_158 = arith.cmpf olt, %add3A_157, %min3A_151 : vector<128x128xf32>
    %jit3A_159 = arith.constant 1.664000e+03 : f32
    %broadcast_in_dim3A_160 = vector.broadcast %jit3A_159 : f32 to vector<128x128xf32>
    %select_n3A_161 = arith.select %lt3A_158, %broadcast_in_dim3A_160, %select_n3A_150 : vector<128x128xi1>, vector<128x128xf32>
    %min3A_162 = arith.minimumf %min3A_151, %add3A_157 : vector<128x128xf32>
    %slice3A_163 = vector.extract_strided_slice %slice3A_16 {offsets = [0, 1792], sizes = [128, 128], strides = [1, 1]} : vector<128x8192xf32> to vector<128x128xf32>
    %sub3A_164 = vector.broadcast %slice3A : vector<128x1xf32> to vector<128x128xf32>
    %sub3A_165 = arith.subf %sub3A_164, %slice3A_163 : vector<128x128xf32>
    %slice3A_166 = vector.extract_strided_slice %get3A_13 {offsets = [0, 1792], sizes = [1, 128], strides = [1, 1]} : vector<1x8192xf32> to vector<1x128xf32>
    %add3A_167 = vector.broadcast %slice3A_166 : vector<1x128xf32> to vector<128x128xf32>
    %add3A_168 = arith.addf %sub3A_165, %add3A_167 : vector<128x128xf32>
    %lt3A_169 = arith.cmpf olt, %add3A_168, %min3A_162 : vector<128x128xf32>
    %jit3A_170 = arith.constant 1.792000e+03 : f32
    %broadcast_in_dim3A_171 = vector.broadcast %jit3A_170 : f32 to vector<128x128xf32>
    %select_n3A_172 = arith.select %lt3A_169, %broadcast_in_dim3A_171, %select_n3A_161 : vector<128x128xi1>, vector<128x128xf32>
    %min3A_173 = arith.minimumf %min3A_162, %add3A_168 : vector<128x128xf32>
    %slice3A_174 = vector.extract_strided_slice %slice3A_16 {offsets = [0, 1920], sizes = [128, 128], strides = [1, 1]} : vector<128x8192xf32> to vector<128x128xf32>
    %sub3A_175 = vector.broadcast %slice3A : vector<128x1xf32> to vector<128x128xf32>
    %sub3A_176 = arith.subf %sub3A_175, %slice3A_174 : vector<128x128xf32>
    %slice3A_177 = vector.extract_strided_slice %get3A_13 {offsets = [0, 1920], sizes = [1, 128], strides = [1, 1]} : vector<1x8192xf32> to vector<1x128xf32>
    %add3A_178 = vector.broadcast %slice3A_177 : vector<1x128xf32> to vector<128x128xf32>
    %add3A_179 = arith.addf %sub3A_176, %add3A_178 : vector<128x128xf32>
    %lt3A_180 = arith.cmpf olt, %add3A_179, %min3A_173 : vector<128x128xf32>
    %jit3A_181 = arith.constant 1.920000e+03 : f32
    %broadcast_in_dim3A_182 = vector.broadcast %jit3A_181 : f32 to vector<128x128xf32>
    %select_n3A_183 = arith.select %lt3A_180, %broadcast_in_dim3A_182, %select_n3A_172 : vector<128x128xi1>, vector<128x128xf32>
    %min3A_184 = arith.minimumf %min3A_173, %add3A_179 : vector<128x128xf32>
    %slice3A_185 = vector.extract_strided_slice %slice3A_16 {offsets = [0, 2048], sizes = [128, 128], strides = [1, 1]} : vector<128x8192xf32> to vector<128x128xf32>
    %sub3A_186 = vector.broadcast %slice3A : vector<128x1xf32> to vector<128x128xf32>
    %sub3A_187 = arith.subf %sub3A_186, %slice3A_185 : vector<128x128xf32>
    %slice3A_188 = vector.extract_strided_slice %get3A_13 {offsets = [0, 2048], sizes = [1, 128], strides = [1, 1]} : vector<1x8192xf32> to vector<1x128xf32>
    %add3A_189 = vector.broadcast %slice3A_188 : vector<1x128xf32> to vector<128x128xf32>
    %add3A_190 = arith.addf %sub3A_187, %add3A_189 : vector<128x128xf32>
    %lt3A_191 = arith.cmpf olt, %add3A_190, %min3A_184 : vector<128x128xf32>
    %jit3A_192 = arith.constant 2.048000e+03 : f32
    %broadcast_in_dim3A_193 = vector.broadcast %jit3A_192 : f32 to vector<128x128xf32>
    %select_n3A_194 = arith.select %lt3A_191, %broadcast_in_dim3A_193, %select_n3A_183 : vector<128x128xi1>, vector<128x128xf32>
    %min3A_195 = arith.minimumf %min3A_184, %add3A_190 : vector<128x128xf32>
    %slice3A_196 = vector.extract_strided_slice %slice3A_16 {offsets = [0, 2176], sizes = [128, 128], strides = [1, 1]} : vector<128x8192xf32> to vector<128x128xf32>
    %sub3A_197 = vector.broadcast %slice3A : vector<128x1xf32> to vector<128x128xf32>
    %sub3A_198 = arith.subf %sub3A_197, %slice3A_196 : vector<128x128xf32>
    %slice3A_199 = vector.extract_strided_slice %get3A_13 {offsets = [0, 2176], sizes = [1, 128], strides = [1, 1]} : vector<1x8192xf32> to vector<1x128xf32>
    %add3A_200 = vector.broadcast %slice3A_199 : vector<1x128xf32> to vector<128x128xf32>
    %add3A_201 = arith.addf %sub3A_198, %add3A_200 : vector<128x128xf32>
    %lt3A_202 = arith.cmpf olt, %add3A_201, %min3A_195 : vector<128x128xf32>
    %jit3A_203 = arith.constant 2.176000e+03 : f32
    %broadcast_in_dim3A_204 = vector.broadcast %jit3A_203 : f32 to vector<128x128xf32>
    %select_n3A_205 = arith.select %lt3A_202, %broadcast_in_dim3A_204, %select_n3A_194 : vector<128x128xi1>, vector<128x128xf32>
    %min3A_206 = arith.minimumf %min3A_195, %add3A_201 : vector<128x128xf32>
    %slice3A_207 = vector.extract_strided_slice %slice3A_16 {offsets = [0, 2304], sizes = [128, 128], strides = [1, 1]} : vector<128x8192xf32> to vector<128x128xf32>
    %sub3A_208 = vector.broadcast %slice3A : vector<128x1xf32> to vector<128x128xf32>
    %sub3A_209 = arith.subf %sub3A_208, %slice3A_207 : vector<128x128xf32>
    %slice3A_210 = vector.extract_strided_slice %get3A_13 {offsets = [0, 2304], sizes = [1, 128], strides = [1, 1]} : vector<1x8192xf32> to vector<1x128xf32>
    %add3A_211 = vector.broadcast %slice3A_210 : vector<1x128xf32> to vector<128x128xf32>
    %add3A_212 = arith.addf %sub3A_209, %add3A_211 : vector<128x128xf32>
    %lt3A_213 = arith.cmpf olt, %add3A_212, %min3A_206 : vector<128x128xf32>
    %jit3A_214 = arith.constant 2.304000e+03 : f32
    %broadcast_in_dim3A_215 = vector.broadcast %jit3A_214 : f32 to vector<128x128xf32>
    %select_n3A_216 = arith.select %lt3A_213, %broadcast_in_dim3A_215, %select_n3A_205 : vector<128x128xi1>, vector<128x128xf32>
    %min3A_217 = arith.minimumf %min3A_206, %add3A_212 : vector<128x128xf32>
    %slice3A_218 = vector.extract_strided_slice %slice3A_16 {offsets = [0, 2432], sizes = [128, 128], strides = [1, 1]} : vector<128x8192xf32> to vector<128x128xf32>
    %sub3A_219 = vector.broadcast %slice3A : vector<128x1xf32> to vector<128x128xf32>
    %sub3A_220 = arith.subf %sub3A_219, %slice3A_218 : vector<128x128xf32>
    %slice3A_221 = vector.extract_strided_slice %get3A_13 {offsets = [0, 2432], sizes = [1, 128], strides = [1, 1]} : vector<1x8192xf32> to vector<1x128xf32>
    %add3A_222 = vector.broadcast %slice3A_221 : vector<1x128xf32> to vector<128x128xf32>
    %add3A_223 = arith.addf %sub3A_220, %add3A_222 : vector<128x128xf32>
    %lt3A_224 = arith.cmpf olt, %add3A_223, %min3A_217 : vector<128x128xf32>
    %jit3A_225 = arith.constant 2.432000e+03 : f32
    %broadcast_in_dim3A_226 = vector.broadcast %jit3A_225 : f32 to vector<128x128xf32>
    %select_n3A_227 = arith.select %lt3A_224, %broadcast_in_dim3A_226, %select_n3A_216 : vector<128x128xi1>, vector<128x128xf32>
    %min3A_228 = arith.minimumf %min3A_217, %add3A_223 : vector<128x128xf32>
    %slice3A_229 = vector.extract_strided_slice %slice3A_16 {offsets = [0, 2560], sizes = [128, 128], strides = [1, 1]} : vector<128x8192xf32> to vector<128x128xf32>
    %sub3A_230 = vector.broadcast %slice3A : vector<128x1xf32> to vector<128x128xf32>
    %sub3A_231 = arith.subf %sub3A_230, %slice3A_229 : vector<128x128xf32>
    %slice3A_232 = vector.extract_strided_slice %get3A_13 {offsets = [0, 2560], sizes = [1, 128], strides = [1, 1]} : vector<1x8192xf32> to vector<1x128xf32>
    %add3A_233 = vector.broadcast %slice3A_232 : vector<1x128xf32> to vector<128x128xf32>
    %add3A_234 = arith.addf %sub3A_231, %add3A_233 : vector<128x128xf32>
    %lt3A_235 = arith.cmpf olt, %add3A_234, %min3A_228 : vector<128x128xf32>
    %jit3A_236 = arith.constant 2.560000e+03 : f32
    %broadcast_in_dim3A_237 = vector.broadcast %jit3A_236 : f32 to vector<128x128xf32>
    %select_n3A_238 = arith.select %lt3A_235, %broadcast_in_dim3A_237, %select_n3A_227 : vector<128x128xi1>, vector<128x128xf32>
    %min3A_239 = arith.minimumf %min3A_228, %add3A_234 : vector<128x128xf32>
    %slice3A_240 = vector.extract_strided_slice %slice3A_16 {offsets = [0, 2688], sizes = [128, 128], strides = [1, 1]} : vector<128x8192xf32> to vector<128x128xf32>
    %sub3A_241 = vector.broadcast %slice3A : vector<128x1xf32> to vector<128x128xf32>
    %sub3A_242 = arith.subf %sub3A_241, %slice3A_240 : vector<128x128xf32>
    %slice3A_243 = vector.extract_strided_slice %get3A_13 {offsets = [0, 2688], sizes = [1, 128], strides = [1, 1]} : vector<1x8192xf32> to vector<1x128xf32>
    %add3A_244 = vector.broadcast %slice3A_243 : vector<1x128xf32> to vector<128x128xf32>
    %add3A_245 = arith.addf %sub3A_242, %add3A_244 : vector<128x128xf32>
    %lt3A_246 = arith.cmpf olt, %add3A_245, %min3A_239 : vector<128x128xf32>
    %jit3A_247 = arith.constant 2.688000e+03 : f32
    %broadcast_in_dim3A_248 = vector.broadcast %jit3A_247 : f32 to vector<128x128xf32>
    %select_n3A_249 = arith.select %lt3A_246, %broadcast_in_dim3A_248, %select_n3A_238 : vector<128x128xi1>, vector<128x128xf32>
    %min3A_250 = arith.minimumf %min3A_239, %add3A_245 : vector<128x128xf32>
    %slice3A_251 = vector.extract_strided_slice %slice3A_16 {offsets = [0, 2816], sizes = [128, 128], strides = [1, 1]} : vector<128x8192xf32> to vector<128x128xf32>
    %sub3A_252 = vector.broadcast %slice3A : vector<128x1xf32> to vector<128x128xf32>
    %sub3A_253 = arith.subf %sub3A_252, %slice3A_251 : vector<128x128xf32>
    %slice3A_254 = vector.extract_strided_slice %get3A_13 {offsets = [0, 2816], sizes = [1, 128], strides = [1, 1]} : vector<1x8192xf32> to vector<1x128xf32>
    %add3A_255 = vector.broadcast %slice3A_254 : vector<1x128xf32> to vector<128x128xf32>
    %add3A_256 = arith.addf %sub3A_253, %add3A_255 : vector<128x128xf32>
    %lt3A_257 = arith.cmpf olt, %add3A_256, %min3A_250 : vector<128x128xf32>
    %jit3A_258 = arith.constant 2.816000e+03 : f32
    %broadcast_in_dim3A_259 = vector.broadcast %jit3A_258 : f32 to vector<128x128xf32>
    %select_n3A_260 = arith.select %lt3A_257, %broadcast_in_dim3A_259, %select_n3A_249 : vector<128x128xi1>, vector<128x128xf32>
    %min3A_261 = arith.minimumf %min3A_250, %add3A_256 : vector<128x128xf32>
    %slice3A_262 = vector.extract_strided_slice %slice3A_16 {offsets = [0, 2944], sizes = [128, 128], strides = [1, 1]} : vector<128x8192xf32> to vector<128x128xf32>
    %sub3A_263 = vector.broadcast %slice3A : vector<128x1xf32> to vector<128x128xf32>
    %sub3A_264 = arith.subf %sub3A_263, %slice3A_262 : vector<128x128xf32>
    %slice3A_265 = vector.extract_strided_slice %get3A_13 {offsets = [0, 2944], sizes = [1, 128], strides = [1, 1]} : vector<1x8192xf32> to vector<1x128xf32>
    %add3A_266 = vector.broadcast %slice3A_265 : vector<1x128xf32> to vector<128x128xf32>
    %add3A_267 = arith.addf %sub3A_264, %add3A_266 : vector<128x128xf32>
    %lt3A_268 = arith.cmpf olt, %add3A_267, %min3A_261 : vector<128x128xf32>
    %jit3A_269 = arith.constant 2.944000e+03 : f32
    %broadcast_in_dim3A_270 = vector.broadcast %jit3A_269 : f32 to vector<128x128xf32>
    %select_n3A_271 = arith.select %lt3A_268, %broadcast_in_dim3A_270, %select_n3A_260 : vector<128x128xi1>, vector<128x128xf32>
    %min3A_272 = arith.minimumf %min3A_261, %add3A_267 : vector<128x128xf32>
    %slice3A_273 = vector.extract_strided_slice %slice3A_16 {offsets = [0, 3072], sizes = [128, 128], strides = [1, 1]} : vector<128x8192xf32> to vector<128x128xf32>
    %sub3A_274 = vector.broadcast %slice3A : vector<128x1xf32> to vector<128x128xf32>
    %sub3A_275 = arith.subf %sub3A_274, %slice3A_273 : vector<128x128xf32>
    %slice3A_276 = vector.extract_strided_slice %get3A_13 {offsets = [0, 3072], sizes = [1, 128], strides = [1, 1]} : vector<1x8192xf32> to vector<1x128xf32>
    %add3A_277 = vector.broadcast %slice3A_276 : vector<1x128xf32> to vector<128x128xf32>
    %add3A_278 = arith.addf %sub3A_275, %add3A_277 : vector<128x128xf32>
    %lt3A_279 = arith.cmpf olt, %add3A_278, %min3A_272 : vector<128x128xf32>
    %jit3A_280 = arith.constant 3.072000e+03 : f32
    %broadcast_in_dim3A_281 = vector.broadcast %jit3A_280 : f32 to vector<128x128xf32>
    %select_n3A_282 = arith.select %lt3A_279, %broadcast_in_dim3A_281, %select_n3A_271 : vector<128x128xi1>, vector<128x128xf32>
    %min3A_283 = arith.minimumf %min3A_272, %add3A_278 : vector<128x128xf32>
    %slice3A_284 = vector.extract_strided_slice %slice3A_16 {offsets = [0, 3200], sizes = [128, 128], strides = [1, 1]} : vector<128x8192xf32> to vector<128x128xf32>
    %sub3A_285 = vector.broadcast %slice3A : vector<128x1xf32> to vector<128x128xf32>
    %sub3A_286 = arith.subf %sub3A_285, %slice3A_284 : vector<128x128xf32>
    %slice3A_287 = vector.extract_strided_slice %get3A_13 {offsets = [0, 3200], sizes = [1, 128], strides = [1, 1]} : vector<1x8192xf32> to vector<1x128xf32>
    %add3A_288 = vector.broadcast %slice3A_287 : vector<1x128xf32> to vector<128x128xf32>
    %add3A_289 = arith.addf %sub3A_286, %add3A_288 : vector<128x128xf32>
    %lt3A_290 = arith.cmpf olt, %add3A_289, %min3A_283 : vector<128x128xf32>
    %jit3A_291 = arith.constant 3.200000e+03 : f32
    %broadcast_in_dim3A_292 = vector.broadcast %jit3A_291 : f32 to vector<128x128xf32>
    %select_n3A_293 = arith.select %lt3A_290, %broadcast_in_dim3A_292, %select_n3A_282 : vector<128x128xi1>, vector<128x128xf32>
    %min3A_294 = arith.minimumf %min3A_283, %add3A_289 : vector<128x128xf32>
    %slice3A_295 = vector.extract_strided_slice %slice3A_16 {offsets = [0, 3328], sizes = [128, 128], strides = [1, 1]} : vector<128x8192xf32> to vector<128x128xf32>
    %sub3A_296 = vector.broadcast %slice3A : vector<128x1xf32> to vector<128x128xf32>
    %sub3A_297 = arith.subf %sub3A_296, %slice3A_295 : vector<128x128xf32>
    %slice3A_298 = vector.extract_strided_slice %get3A_13 {offsets = [0, 3328], sizes = [1, 128], strides = [1, 1]} : vector<1x8192xf32> to vector<1x128xf32>
    %add3A_299 = vector.broadcast %slice3A_298 : vector<1x128xf32> to vector<128x128xf32>
    %add3A_300 = arith.addf %sub3A_297, %add3A_299 : vector<128x128xf32>
    %lt3A_301 = arith.cmpf olt, %add3A_300, %min3A_294 : vector<128x128xf32>
    %jit3A_302 = arith.constant 3.328000e+03 : f32
    %broadcast_in_dim3A_303 = vector.broadcast %jit3A_302 : f32 to vector<128x128xf32>
    %select_n3A_304 = arith.select %lt3A_301, %broadcast_in_dim3A_303, %select_n3A_293 : vector<128x128xi1>, vector<128x128xf32>
    %min3A_305 = arith.minimumf %min3A_294, %add3A_300 : vector<128x128xf32>
    %slice3A_306 = vector.extract_strided_slice %slice3A_16 {offsets = [0, 3456], sizes = [128, 128], strides = [1, 1]} : vector<128x8192xf32> to vector<128x128xf32>
    %sub3A_307 = vector.broadcast %slice3A : vector<128x1xf32> to vector<128x128xf32>
    %sub3A_308 = arith.subf %sub3A_307, %slice3A_306 : vector<128x128xf32>
    %slice3A_309 = vector.extract_strided_slice %get3A_13 {offsets = [0, 3456], sizes = [1, 128], strides = [1, 1]} : vector<1x8192xf32> to vector<1x128xf32>
    %add3A_310 = vector.broadcast %slice3A_309 : vector<1x128xf32> to vector<128x128xf32>
    %add3A_311 = arith.addf %sub3A_308, %add3A_310 : vector<128x128xf32>
    %lt3A_312 = arith.cmpf olt, %add3A_311, %min3A_305 : vector<128x128xf32>
    %jit3A_313 = arith.constant 3.456000e+03 : f32
    %broadcast_in_dim3A_314 = vector.broadcast %jit3A_313 : f32 to vector<128x128xf32>
    %select_n3A_315 = arith.select %lt3A_312, %broadcast_in_dim3A_314, %select_n3A_304 : vector<128x128xi1>, vector<128x128xf32>
    %min3A_316 = arith.minimumf %min3A_305, %add3A_311 : vector<128x128xf32>
    %slice3A_317 = vector.extract_strided_slice %slice3A_16 {offsets = [0, 3584], sizes = [128, 128], strides = [1, 1]} : vector<128x8192xf32> to vector<128x128xf32>
    %sub3A_318 = vector.broadcast %slice3A : vector<128x1xf32> to vector<128x128xf32>
    %sub3A_319 = arith.subf %sub3A_318, %slice3A_317 : vector<128x128xf32>
    %slice3A_320 = vector.extract_strided_slice %get3A_13 {offsets = [0, 3584], sizes = [1, 128], strides = [1, 1]} : vector<1x8192xf32> to vector<1x128xf32>
    %add3A_321 = vector.broadcast %slice3A_320 : vector<1x128xf32> to vector<128x128xf32>
    %add3A_322 = arith.addf %sub3A_319, %add3A_321 : vector<128x128xf32>
    %lt3A_323 = arith.cmpf olt, %add3A_322, %min3A_316 : vector<128x128xf32>
    %jit3A_324 = arith.constant 3.584000e+03 : f32
    %broadcast_in_dim3A_325 = vector.broadcast %jit3A_324 : f32 to vector<128x128xf32>
    %select_n3A_326 = arith.select %lt3A_323, %broadcast_in_dim3A_325, %select_n3A_315 : vector<128x128xi1>, vector<128x128xf32>
    %min3A_327 = arith.minimumf %min3A_316, %add3A_322 : vector<128x128xf32>
    %slice3A_328 = vector.extract_strided_slice %slice3A_16 {offsets = [0, 3712], sizes = [128, 128], strides = [1, 1]} : vector<128x8192xf32> to vector<128x128xf32>
    %sub3A_329 = vector.broadcast %slice3A : vector<128x1xf32> to vector<128x128xf32>
    %sub3A_330 = arith.subf %sub3A_329, %slice3A_328 : vector<128x128xf32>
    %slice3A_331 = vector.extract_strided_slice %get3A_13 {offsets = [0, 3712], sizes = [1, 128], strides = [1, 1]} : vector<1x8192xf32> to vector<1x128xf32>
    %add3A_332 = vector.broadcast %slice3A_331 : vector<1x128xf32> to vector<128x128xf32>
    %add3A_333 = arith.addf %sub3A_330, %add3A_332 : vector<128x128xf32>
    %lt3A_334 = arith.cmpf olt, %add3A_333, %min3A_327 : vector<128x128xf32>
    %jit3A_335 = arith.constant 3.712000e+03 : f32
    %broadcast_in_dim3A_336 = vector.broadcast %jit3A_335 : f32 to vector<128x128xf32>
    %select_n3A_337 = arith.select %lt3A_334, %broadcast_in_dim3A_336, %select_n3A_326 : vector<128x128xi1>, vector<128x128xf32>
    %min3A_338 = arith.minimumf %min3A_327, %add3A_333 : vector<128x128xf32>
    %slice3A_339 = vector.extract_strided_slice %slice3A_16 {offsets = [0, 3840], sizes = [128, 128], strides = [1, 1]} : vector<128x8192xf32> to vector<128x128xf32>
    %sub3A_340 = vector.broadcast %slice3A : vector<128x1xf32> to vector<128x128xf32>
    %sub3A_341 = arith.subf %sub3A_340, %slice3A_339 : vector<128x128xf32>
    %slice3A_342 = vector.extract_strided_slice %get3A_13 {offsets = [0, 3840], sizes = [1, 128], strides = [1, 1]} : vector<1x8192xf32> to vector<1x128xf32>
    %add3A_343 = vector.broadcast %slice3A_342 : vector<1x128xf32> to vector<128x128xf32>
    %add3A_344 = arith.addf %sub3A_341, %add3A_343 : vector<128x128xf32>
    %lt3A_345 = arith.cmpf olt, %add3A_344, %min3A_338 : vector<128x128xf32>
    %jit3A_346 = arith.constant 3.840000e+03 : f32
    %broadcast_in_dim3A_347 = vector.broadcast %jit3A_346 : f32 to vector<128x128xf32>
    %select_n3A_348 = arith.select %lt3A_345, %broadcast_in_dim3A_347, %select_n3A_337 : vector<128x128xi1>, vector<128x128xf32>
    %min3A_349 = arith.minimumf %min3A_338, %add3A_344 : vector<128x128xf32>
    %slice3A_350 = vector.extract_strided_slice %slice3A_16 {offsets = [0, 3968], sizes = [128, 128], strides = [1, 1]} : vector<128x8192xf32> to vector<128x128xf32>
    %sub3A_351 = vector.broadcast %slice3A : vector<128x1xf32> to vector<128x128xf32>
    %sub3A_352 = arith.subf %sub3A_351, %slice3A_350 : vector<128x128xf32>
    %slice3A_353 = vector.extract_strided_slice %get3A_13 {offsets = [0, 3968], sizes = [1, 128], strides = [1, 1]} : vector<1x8192xf32> to vector<1x128xf32>
    %add3A_354 = vector.broadcast %slice3A_353 : vector<1x128xf32> to vector<128x128xf32>
    %add3A_355 = arith.addf %sub3A_352, %add3A_354 : vector<128x128xf32>
    %lt3A_356 = arith.cmpf olt, %add3A_355, %min3A_349 : vector<128x128xf32>
    %jit3A_357 = arith.constant 3.968000e+03 : f32
    %broadcast_in_dim3A_358 = vector.broadcast %jit3A_357 : f32 to vector<128x128xf32>
    %select_n3A_359 = arith.select %lt3A_356, %broadcast_in_dim3A_358, %select_n3A_348 : vector<128x128xi1>, vector<128x128xf32>
    %min3A_360 = arith.minimumf %min3A_349, %add3A_355 : vector<128x128xf32>
    %reduce_min3A = arith.constant dense<0x7F800000> : vector<128xf32>
    %reduce_min3A_361 = vector.multi_reduction <minimumf>, %min3A_360, %reduce_min3A [1] : vector<128x128xf32> to vector<128xf32>
    %broadcast_in_dim3A_362 = vector.shape_cast %reduce_min3A_361 : vector<128xf32> to vector<128x1xf32>
    %eq3A_363 = vector.broadcast %broadcast_in_dim3A_362 : vector<128x1xf32> to vector<128x128xf32>
    %eq3A_364 = arith.cmpf oeq, %min3A_360, %eq3A_363 : vector<128x128xf32>
    %add3A_365 = vector.broadcast %convert_element_type3A_14 : vector<1x128xf32> to vector<128x128xf32>
    %add3A_366 = arith.addf %select_n3A_359, %add3A_365 : vector<128x128xf32>
    %jit3A_367 = arith.constant 8.192000e+03 : f32
    %broadcast_in_dim3A_368 = vector.broadcast %jit3A_367 : f32 to vector<128x128xf32>
    %select_n3A_369 = arith.select %eq3A_364, %add3A_366, %broadcast_in_dim3A_368 : vector<128x128xi1>, vector<128x128xf32>
    %reduce_min3A_370 = arith.constant dense<0x7F800000> : vector<128xf32>
    %reduce_min3A_371 = vector.multi_reduction <minimumf>, %select_n3A_369, %reduce_min3A_370 [1] : vector<128x128xf32> to vector<128xf32>
    %slice3A_372 = vector.extract_strided_slice %slice3A_16 {offsets = [0, 4096], sizes = [128, 128], strides = [1, 1]} : vector<128x8192xf32> to vector<128x128xf32>
    %sub3A_373 = vector.broadcast %slice3A : vector<128x1xf32> to vector<128x128xf32>
    %sub3A_374 = arith.subf %sub3A_373, %slice3A_372 : vector<128x128xf32>
    %slice3A_375 = vector.extract_strided_slice %get3A_13 {offsets = [0, 4096], sizes = [1, 128], strides = [1, 1]} : vector<1x8192xf32> to vector<1x128xf32>
    %add3A_376 = vector.broadcast %slice3A_375 : vector<1x128xf32> to vector<128x128xf32>
    %add3A_377 = arith.addf %sub3A_374, %add3A_376 : vector<128x128xf32>
    %broadcast_in_dim3A_378 = arith.constant 0.000000e+00 : f32
    %broadcast_in_dim3A_379 = vector.broadcast %broadcast_in_dim3A_378 : f32 to vector<128x128xf32>
    %slice3A_380 = vector.extract_strided_slice %slice3A_16 {offsets = [0, 4224], sizes = [128, 128], strides = [1, 1]} : vector<128x8192xf32> to vector<128x128xf32>
    %sub3A_381 = vector.broadcast %slice3A : vector<128x1xf32> to vector<128x128xf32>
    %sub3A_382 = arith.subf %sub3A_381, %slice3A_380 : vector<128x128xf32>
    %slice3A_383 = vector.extract_strided_slice %get3A_13 {offsets = [0, 4224], sizes = [1, 128], strides = [1, 1]} : vector<1x8192xf32> to vector<1x128xf32>
    %add3A_384 = vector.broadcast %slice3A_383 : vector<1x128xf32> to vector<128x128xf32>
    %add3A_385 = arith.addf %sub3A_382, %add3A_384 : vector<128x128xf32>
    %lt3A_386 = arith.cmpf olt, %add3A_385, %add3A_377 : vector<128x128xf32>
    %jit3A_387 = arith.constant 1.280000e+02 : f32
    %broadcast_in_dim3A_388 = vector.broadcast %jit3A_387 : f32 to vector<128x128xf32>
    %select_n3A_389 = arith.select %lt3A_386, %broadcast_in_dim3A_388, %broadcast_in_dim3A_379 : vector<128x128xi1>, vector<128x128xf32>
    %min3A_390 = arith.minimumf %add3A_377, %add3A_385 : vector<128x128xf32>
    %slice3A_391 = vector.extract_strided_slice %slice3A_16 {offsets = [0, 4352], sizes = [128, 128], strides = [1, 1]} : vector<128x8192xf32> to vector<128x128xf32>
    %sub3A_392 = vector.broadcast %slice3A : vector<128x1xf32> to vector<128x128xf32>
    %sub3A_393 = arith.subf %sub3A_392, %slice3A_391 : vector<128x128xf32>
    %slice3A_394 = vector.extract_strided_slice %get3A_13 {offsets = [0, 4352], sizes = [1, 128], strides = [1, 1]} : vector<1x8192xf32> to vector<1x128xf32>
    %add3A_395 = vector.broadcast %slice3A_394 : vector<1x128xf32> to vector<128x128xf32>
    %add3A_396 = arith.addf %sub3A_393, %add3A_395 : vector<128x128xf32>
    %lt3A_397 = arith.cmpf olt, %add3A_396, %min3A_390 : vector<128x128xf32>
    %jit3A_398 = arith.constant 2.560000e+02 : f32
    %broadcast_in_dim3A_399 = vector.broadcast %jit3A_398 : f32 to vector<128x128xf32>
    %select_n3A_400 = arith.select %lt3A_397, %broadcast_in_dim3A_399, %select_n3A_389 : vector<128x128xi1>, vector<128x128xf32>
    %min3A_401 = arith.minimumf %min3A_390, %add3A_396 : vector<128x128xf32>
    %slice3A_402 = vector.extract_strided_slice %slice3A_16 {offsets = [0, 4480], sizes = [128, 128], strides = [1, 1]} : vector<128x8192xf32> to vector<128x128xf32>
    %sub3A_403 = vector.broadcast %slice3A : vector<128x1xf32> to vector<128x128xf32>
    %sub3A_404 = arith.subf %sub3A_403, %slice3A_402 : vector<128x128xf32>
    %slice3A_405 = vector.extract_strided_slice %get3A_13 {offsets = [0, 4480], sizes = [1, 128], strides = [1, 1]} : vector<1x8192xf32> to vector<1x128xf32>
    %add3A_406 = vector.broadcast %slice3A_405 : vector<1x128xf32> to vector<128x128xf32>
    %add3A_407 = arith.addf %sub3A_404, %add3A_406 : vector<128x128xf32>
    %lt3A_408 = arith.cmpf olt, %add3A_407, %min3A_401 : vector<128x128xf32>
    %jit3A_409 = arith.constant 3.840000e+02 : f32
    %broadcast_in_dim3A_410 = vector.broadcast %jit3A_409 : f32 to vector<128x128xf32>
    %select_n3A_411 = arith.select %lt3A_408, %broadcast_in_dim3A_410, %select_n3A_400 : vector<128x128xi1>, vector<128x128xf32>
    %min3A_412 = arith.minimumf %min3A_401, %add3A_407 : vector<128x128xf32>
    %slice3A_413 = vector.extract_strided_slice %slice3A_16 {offsets = [0, 4608], sizes = [128, 128], strides = [1, 1]} : vector<128x8192xf32> to vector<128x128xf32>
    %sub3A_414 = vector.broadcast %slice3A : vector<128x1xf32> to vector<128x128xf32>
    %sub3A_415 = arith.subf %sub3A_414, %slice3A_413 : vector<128x128xf32>
    %slice3A_416 = vector.extract_strided_slice %get3A_13 {offsets = [0, 4608], sizes = [1, 128], strides = [1, 1]} : vector<1x8192xf32> to vector<1x128xf32>
    %add3A_417 = vector.broadcast %slice3A_416 : vector<1x128xf32> to vector<128x128xf32>
    %add3A_418 = arith.addf %sub3A_415, %add3A_417 : vector<128x128xf32>
    %lt3A_419 = arith.cmpf olt, %add3A_418, %min3A_412 : vector<128x128xf32>
    %jit3A_420 = arith.constant 5.120000e+02 : f32
    %broadcast_in_dim3A_421 = vector.broadcast %jit3A_420 : f32 to vector<128x128xf32>
    %select_n3A_422 = arith.select %lt3A_419, %broadcast_in_dim3A_421, %select_n3A_411 : vector<128x128xi1>, vector<128x128xf32>
    %min3A_423 = arith.minimumf %min3A_412, %add3A_418 : vector<128x128xf32>
    %slice3A_424 = vector.extract_strided_slice %slice3A_16 {offsets = [0, 4736], sizes = [128, 128], strides = [1, 1]} : vector<128x8192xf32> to vector<128x128xf32>
    %sub3A_425 = vector.broadcast %slice3A : vector<128x1xf32> to vector<128x128xf32>
    %sub3A_426 = arith.subf %sub3A_425, %slice3A_424 : vector<128x128xf32>
    %slice3A_427 = vector.extract_strided_slice %get3A_13 {offsets = [0, 4736], sizes = [1, 128], strides = [1, 1]} : vector<1x8192xf32> to vector<1x128xf32>
    %add3A_428 = vector.broadcast %slice3A_427 : vector<1x128xf32> to vector<128x128xf32>
    %add3A_429 = arith.addf %sub3A_426, %add3A_428 : vector<128x128xf32>
    %lt3A_430 = arith.cmpf olt, %add3A_429, %min3A_423 : vector<128x128xf32>
    %jit3A_431 = arith.constant 6.400000e+02 : f32
    %broadcast_in_dim3A_432 = vector.broadcast %jit3A_431 : f32 to vector<128x128xf32>
    %select_n3A_433 = arith.select %lt3A_430, %broadcast_in_dim3A_432, %select_n3A_422 : vector<128x128xi1>, vector<128x128xf32>
    %min3A_434 = arith.minimumf %min3A_423, %add3A_429 : vector<128x128xf32>
    %slice3A_435 = vector.extract_strided_slice %slice3A_16 {offsets = [0, 4864], sizes = [128, 128], strides = [1, 1]} : vector<128x8192xf32> to vector<128x128xf32>
    %sub3A_436 = vector.broadcast %slice3A : vector<128x1xf32> to vector<128x128xf32>
    %sub3A_437 = arith.subf %sub3A_436, %slice3A_435 : vector<128x128xf32>
    %slice3A_438 = vector.extract_strided_slice %get3A_13 {offsets = [0, 4864], sizes = [1, 128], strides = [1, 1]} : vector<1x8192xf32> to vector<1x128xf32>
    %add3A_439 = vector.broadcast %slice3A_438 : vector<1x128xf32> to vector<128x128xf32>
    %add3A_440 = arith.addf %sub3A_437, %add3A_439 : vector<128x128xf32>
    %lt3A_441 = arith.cmpf olt, %add3A_440, %min3A_434 : vector<128x128xf32>
    %jit3A_442 = arith.constant 7.680000e+02 : f32
    %broadcast_in_dim3A_443 = vector.broadcast %jit3A_442 : f32 to vector<128x128xf32>
    %select_n3A_444 = arith.select %lt3A_441, %broadcast_in_dim3A_443, %select_n3A_433 : vector<128x128xi1>, vector<128x128xf32>
    %min3A_445 = arith.minimumf %min3A_434, %add3A_440 : vector<128x128xf32>
    %slice3A_446 = vector.extract_strided_slice %slice3A_16 {offsets = [0, 4992], sizes = [128, 128], strides = [1, 1]} : vector<128x8192xf32> to vector<128x128xf32>
    %sub3A_447 = vector.broadcast %slice3A : vector<128x1xf32> to vector<128x128xf32>
    %sub3A_448 = arith.subf %sub3A_447, %slice3A_446 : vector<128x128xf32>
    %slice3A_449 = vector.extract_strided_slice %get3A_13 {offsets = [0, 4992], sizes = [1, 128], strides = [1, 1]} : vector<1x8192xf32> to vector<1x128xf32>
    %add3A_450 = vector.broadcast %slice3A_449 : vector<1x128xf32> to vector<128x128xf32>
    %add3A_451 = arith.addf %sub3A_448, %add3A_450 : vector<128x128xf32>
    %lt3A_452 = arith.cmpf olt, %add3A_451, %min3A_445 : vector<128x128xf32>
    %jit3A_453 = arith.constant 8.960000e+02 : f32
    %broadcast_in_dim3A_454 = vector.broadcast %jit3A_453 : f32 to vector<128x128xf32>
    %select_n3A_455 = arith.select %lt3A_452, %broadcast_in_dim3A_454, %select_n3A_444 : vector<128x128xi1>, vector<128x128xf32>
    %min3A_456 = arith.minimumf %min3A_445, %add3A_451 : vector<128x128xf32>
    %slice3A_457 = vector.extract_strided_slice %slice3A_16 {offsets = [0, 5120], sizes = [128, 128], strides = [1, 1]} : vector<128x8192xf32> to vector<128x128xf32>
    %sub3A_458 = vector.broadcast %slice3A : vector<128x1xf32> to vector<128x128xf32>
    %sub3A_459 = arith.subf %sub3A_458, %slice3A_457 : vector<128x128xf32>
    %slice3A_460 = vector.extract_strided_slice %get3A_13 {offsets = [0, 5120], sizes = [1, 128], strides = [1, 1]} : vector<1x8192xf32> to vector<1x128xf32>
    %add3A_461 = vector.broadcast %slice3A_460 : vector<1x128xf32> to vector<128x128xf32>
    %add3A_462 = arith.addf %sub3A_459, %add3A_461 : vector<128x128xf32>
    %lt3A_463 = arith.cmpf olt, %add3A_462, %min3A_456 : vector<128x128xf32>
    %jit3A_464 = arith.constant 1.024000e+03 : f32
    %broadcast_in_dim3A_465 = vector.broadcast %jit3A_464 : f32 to vector<128x128xf32>
    %select_n3A_466 = arith.select %lt3A_463, %broadcast_in_dim3A_465, %select_n3A_455 : vector<128x128xi1>, vector<128x128xf32>
    %min3A_467 = arith.minimumf %min3A_456, %add3A_462 : vector<128x128xf32>
    %slice3A_468 = vector.extract_strided_slice %slice3A_16 {offsets = [0, 5248], sizes = [128, 128], strides = [1, 1]} : vector<128x8192xf32> to vector<128x128xf32>
    %sub3A_469 = vector.broadcast %slice3A : vector<128x1xf32> to vector<128x128xf32>
    %sub3A_470 = arith.subf %sub3A_469, %slice3A_468 : vector<128x128xf32>
    %slice3A_471 = vector.extract_strided_slice %get3A_13 {offsets = [0, 5248], sizes = [1, 128], strides = [1, 1]} : vector<1x8192xf32> to vector<1x128xf32>
    %add3A_472 = vector.broadcast %slice3A_471 : vector<1x128xf32> to vector<128x128xf32>
    %add3A_473 = arith.addf %sub3A_470, %add3A_472 : vector<128x128xf32>
    %lt3A_474 = arith.cmpf olt, %add3A_473, %min3A_467 : vector<128x128xf32>
    %jit3A_475 = arith.constant 1.152000e+03 : f32
    %broadcast_in_dim3A_476 = vector.broadcast %jit3A_475 : f32 to vector<128x128xf32>
    %select_n3A_477 = arith.select %lt3A_474, %broadcast_in_dim3A_476, %select_n3A_466 : vector<128x128xi1>, vector<128x128xf32>
    %min3A_478 = arith.minimumf %min3A_467, %add3A_473 : vector<128x128xf32>
    %slice3A_479 = vector.extract_strided_slice %slice3A_16 {offsets = [0, 5376], sizes = [128, 128], strides = [1, 1]} : vector<128x8192xf32> to vector<128x128xf32>
    %sub3A_480 = vector.broadcast %slice3A : vector<128x1xf32> to vector<128x128xf32>
    %sub3A_481 = arith.subf %sub3A_480, %slice3A_479 : vector<128x128xf32>
    %slice3A_482 = vector.extract_strided_slice %get3A_13 {offsets = [0, 5376], sizes = [1, 128], strides = [1, 1]} : vector<1x8192xf32> to vector<1x128xf32>
    %add3A_483 = vector.broadcast %slice3A_482 : vector<1x128xf32> to vector<128x128xf32>
    %add3A_484 = arith.addf %sub3A_481, %add3A_483 : vector<128x128xf32>
    %lt3A_485 = arith.cmpf olt, %add3A_484, %min3A_478 : vector<128x128xf32>
    %jit3A_486 = arith.constant 1.280000e+03 : f32
    %broadcast_in_dim3A_487 = vector.broadcast %jit3A_486 : f32 to vector<128x128xf32>
    %select_n3A_488 = arith.select %lt3A_485, %broadcast_in_dim3A_487, %select_n3A_477 : vector<128x128xi1>, vector<128x128xf32>
    %min3A_489 = arith.minimumf %min3A_478, %add3A_484 : vector<128x128xf32>
    %slice3A_490 = vector.extract_strided_slice %slice3A_16 {offsets = [0, 5504], sizes = [128, 128], strides = [1, 1]} : vector<128x8192xf32> to vector<128x128xf32>
    %sub3A_491 = vector.broadcast %slice3A : vector<128x1xf32> to vector<128x128xf32>
    %sub3A_492 = arith.subf %sub3A_491, %slice3A_490 : vector<128x128xf32>
    %slice3A_493 = vector.extract_strided_slice %get3A_13 {offsets = [0, 5504], sizes = [1, 128], strides = [1, 1]} : vector<1x8192xf32> to vector<1x128xf32>
    %add3A_494 = vector.broadcast %slice3A_493 : vector<1x128xf32> to vector<128x128xf32>
    %add3A_495 = arith.addf %sub3A_492, %add3A_494 : vector<128x128xf32>
    %lt3A_496 = arith.cmpf olt, %add3A_495, %min3A_489 : vector<128x128xf32>
    %jit3A_497 = arith.constant 1.408000e+03 : f32
    %broadcast_in_dim3A_498 = vector.broadcast %jit3A_497 : f32 to vector<128x128xf32>
    %select_n3A_499 = arith.select %lt3A_496, %broadcast_in_dim3A_498, %select_n3A_488 : vector<128x128xi1>, vector<128x128xf32>
    %min3A_500 = arith.minimumf %min3A_489, %add3A_495 : vector<128x128xf32>
    %slice3A_501 = vector.extract_strided_slice %slice3A_16 {offsets = [0, 5632], sizes = [128, 128], strides = [1, 1]} : vector<128x8192xf32> to vector<128x128xf32>
    %sub3A_502 = vector.broadcast %slice3A : vector<128x1xf32> to vector<128x128xf32>
    %sub3A_503 = arith.subf %sub3A_502, %slice3A_501 : vector<128x128xf32>
    %slice3A_504 = vector.extract_strided_slice %get3A_13 {offsets = [0, 5632], sizes = [1, 128], strides = [1, 1]} : vector<1x8192xf32> to vector<1x128xf32>
    %add3A_505 = vector.broadcast %slice3A_504 : vector<1x128xf32> to vector<128x128xf32>
    %add3A_506 = arith.addf %sub3A_503, %add3A_505 : vector<128x128xf32>
    %lt3A_507 = arith.cmpf olt, %add3A_506, %min3A_500 : vector<128x128xf32>
    %jit3A_508 = arith.constant 1.536000e+03 : f32
    %broadcast_in_dim3A_509 = vector.broadcast %jit3A_508 : f32 to vector<128x128xf32>
    %select_n3A_510 = arith.select %lt3A_507, %broadcast_in_dim3A_509, %select_n3A_499 : vector<128x128xi1>, vector<128x128xf32>
    %min3A_511 = arith.minimumf %min3A_500, %add3A_506 : vector<128x128xf32>
    %slice3A_512 = vector.extract_strided_slice %slice3A_16 {offsets = [0, 5760], sizes = [128, 128], strides = [1, 1]} : vector<128x8192xf32> to vector<128x128xf32>
    %sub3A_513 = vector.broadcast %slice3A : vector<128x1xf32> to vector<128x128xf32>
    %sub3A_514 = arith.subf %sub3A_513, %slice3A_512 : vector<128x128xf32>
    %slice3A_515 = vector.extract_strided_slice %get3A_13 {offsets = [0, 5760], sizes = [1, 128], strides = [1, 1]} : vector<1x8192xf32> to vector<1x128xf32>
    %add3A_516 = vector.broadcast %slice3A_515 : vector<1x128xf32> to vector<128x128xf32>
    %add3A_517 = arith.addf %sub3A_514, %add3A_516 : vector<128x128xf32>
    %lt3A_518 = arith.cmpf olt, %add3A_517, %min3A_511 : vector<128x128xf32>
    %jit3A_519 = arith.constant 1.664000e+03 : f32
    %broadcast_in_dim3A_520 = vector.broadcast %jit3A_519 : f32 to vector<128x128xf32>
    %select_n3A_521 = arith.select %lt3A_518, %broadcast_in_dim3A_520, %select_n3A_510 : vector<128x128xi1>, vector<128x128xf32>
    %min3A_522 = arith.minimumf %min3A_511, %add3A_517 : vector<128x128xf32>
    %slice3A_523 = vector.extract_strided_slice %slice3A_16 {offsets = [0, 5888], sizes = [128, 128], strides = [1, 1]} : vector<128x8192xf32> to vector<128x128xf32>
    %sub3A_524 = vector.broadcast %slice3A : vector<128x1xf32> to vector<128x128xf32>
    %sub3A_525 = arith.subf %sub3A_524, %slice3A_523 : vector<128x128xf32>
    %slice3A_526 = vector.extract_strided_slice %get3A_13 {offsets = [0, 5888], sizes = [1, 128], strides = [1, 1]} : vector<1x8192xf32> to vector<1x128xf32>
    %add3A_527 = vector.broadcast %slice3A_526 : vector<1x128xf32> to vector<128x128xf32>
    %add3A_528 = arith.addf %sub3A_525, %add3A_527 : vector<128x128xf32>
    %lt3A_529 = arith.cmpf olt, %add3A_528, %min3A_522 : vector<128x128xf32>
    %jit3A_530 = arith.constant 1.792000e+03 : f32
    %broadcast_in_dim3A_531 = vector.broadcast %jit3A_530 : f32 to vector<128x128xf32>
    %select_n3A_532 = arith.select %lt3A_529, %broadcast_in_dim3A_531, %select_n3A_521 : vector<128x128xi1>, vector<128x128xf32>
    %min3A_533 = arith.minimumf %min3A_522, %add3A_528 : vector<128x128xf32>
    %slice3A_534 = vector.extract_strided_slice %slice3A_16 {offsets = [0, 6016], sizes = [128, 128], strides = [1, 1]} : vector<128x8192xf32> to vector<128x128xf32>
    %sub3A_535 = vector.broadcast %slice3A : vector<128x1xf32> to vector<128x128xf32>
    %sub3A_536 = arith.subf %sub3A_535, %slice3A_534 : vector<128x128xf32>
    %slice3A_537 = vector.extract_strided_slice %get3A_13 {offsets = [0, 6016], sizes = [1, 128], strides = [1, 1]} : vector<1x8192xf32> to vector<1x128xf32>
    %add3A_538 = vector.broadcast %slice3A_537 : vector<1x128xf32> to vector<128x128xf32>
    %add3A_539 = arith.addf %sub3A_536, %add3A_538 : vector<128x128xf32>
    %lt3A_540 = arith.cmpf olt, %add3A_539, %min3A_533 : vector<128x128xf32>
    %jit3A_541 = arith.constant 1.920000e+03 : f32
    %broadcast_in_dim3A_542 = vector.broadcast %jit3A_541 : f32 to vector<128x128xf32>
    %select_n3A_543 = arith.select %lt3A_540, %broadcast_in_dim3A_542, %select_n3A_532 : vector<128x128xi1>, vector<128x128xf32>
    %min3A_544 = arith.minimumf %min3A_533, %add3A_539 : vector<128x128xf32>
    %slice3A_545 = vector.extract_strided_slice %slice3A_16 {offsets = [0, 6144], sizes = [128, 128], strides = [1, 1]} : vector<128x8192xf32> to vector<128x128xf32>
    %sub3A_546 = vector.broadcast %slice3A : vector<128x1xf32> to vector<128x128xf32>
    %sub3A_547 = arith.subf %sub3A_546, %slice3A_545 : vector<128x128xf32>
    %slice3A_548 = vector.extract_strided_slice %get3A_13 {offsets = [0, 6144], sizes = [1, 128], strides = [1, 1]} : vector<1x8192xf32> to vector<1x128xf32>
    %add3A_549 = vector.broadcast %slice3A_548 : vector<1x128xf32> to vector<128x128xf32>
    %add3A_550 = arith.addf %sub3A_547, %add3A_549 : vector<128x128xf32>
    %lt3A_551 = arith.cmpf olt, %add3A_550, %min3A_544 : vector<128x128xf32>
    %jit3A_552 = arith.constant 2.048000e+03 : f32
    %broadcast_in_dim3A_553 = vector.broadcast %jit3A_552 : f32 to vector<128x128xf32>
    %select_n3A_554 = arith.select %lt3A_551, %broadcast_in_dim3A_553, %select_n3A_543 : vector<128x128xi1>, vector<128x128xf32>
    %min3A_555 = arith.minimumf %min3A_544, %add3A_550 : vector<128x128xf32>
    %slice3A_556 = vector.extract_strided_slice %slice3A_16 {offsets = [0, 6272], sizes = [128, 128], strides = [1, 1]} : vector<128x8192xf32> to vector<128x128xf32>
    %sub3A_557 = vector.broadcast %slice3A : vector<128x1xf32> to vector<128x128xf32>
    %sub3A_558 = arith.subf %sub3A_557, %slice3A_556 : vector<128x128xf32>
    %slice3A_559 = vector.extract_strided_slice %get3A_13 {offsets = [0, 6272], sizes = [1, 128], strides = [1, 1]} : vector<1x8192xf32> to vector<1x128xf32>
    %add3A_560 = vector.broadcast %slice3A_559 : vector<1x128xf32> to vector<128x128xf32>
    %add3A_561 = arith.addf %sub3A_558, %add3A_560 : vector<128x128xf32>
    %lt3A_562 = arith.cmpf olt, %add3A_561, %min3A_555 : vector<128x128xf32>
    %jit3A_563 = arith.constant 2.176000e+03 : f32
    %broadcast_in_dim3A_564 = vector.broadcast %jit3A_563 : f32 to vector<128x128xf32>
    %select_n3A_565 = arith.select %lt3A_562, %broadcast_in_dim3A_564, %select_n3A_554 : vector<128x128xi1>, vector<128x128xf32>
    %min3A_566 = arith.minimumf %min3A_555, %add3A_561 : vector<128x128xf32>
    %slice3A_567 = vector.extract_strided_slice %slice3A_16 {offsets = [0, 6400], sizes = [128, 128], strides = [1, 1]} : vector<128x8192xf32> to vector<128x128xf32>
    %sub3A_568 = vector.broadcast %slice3A : vector<128x1xf32> to vector<128x128xf32>
    %sub3A_569 = arith.subf %sub3A_568, %slice3A_567 : vector<128x128xf32>
    %slice3A_570 = vector.extract_strided_slice %get3A_13 {offsets = [0, 6400], sizes = [1, 128], strides = [1, 1]} : vector<1x8192xf32> to vector<1x128xf32>
    %add3A_571 = vector.broadcast %slice3A_570 : vector<1x128xf32> to vector<128x128xf32>
    %add3A_572 = arith.addf %sub3A_569, %add3A_571 : vector<128x128xf32>
    %lt3A_573 = arith.cmpf olt, %add3A_572, %min3A_566 : vector<128x128xf32>
    %jit3A_574 = arith.constant 2.304000e+03 : f32
    %broadcast_in_dim3A_575 = vector.broadcast %jit3A_574 : f32 to vector<128x128xf32>
    %select_n3A_576 = arith.select %lt3A_573, %broadcast_in_dim3A_575, %select_n3A_565 : vector<128x128xi1>, vector<128x128xf32>
    %min3A_577 = arith.minimumf %min3A_566, %add3A_572 : vector<128x128xf32>
    %slice3A_578 = vector.extract_strided_slice %slice3A_16 {offsets = [0, 6528], sizes = [128, 128], strides = [1, 1]} : vector<128x8192xf32> to vector<128x128xf32>
    %sub3A_579 = vector.broadcast %slice3A : vector<128x1xf32> to vector<128x128xf32>
    %sub3A_580 = arith.subf %sub3A_579, %slice3A_578 : vector<128x128xf32>
    %slice3A_581 = vector.extract_strided_slice %get3A_13 {offsets = [0, 6528], sizes = [1, 128], strides = [1, 1]} : vector<1x8192xf32> to vector<1x128xf32>
    %add3A_582 = vector.broadcast %slice3A_581 : vector<1x128xf32> to vector<128x128xf32>
    %add3A_583 = arith.addf %sub3A_580, %add3A_582 : vector<128x128xf32>
    %lt3A_584 = arith.cmpf olt, %add3A_583, %min3A_577 : vector<128x128xf32>
    %jit3A_585 = arith.constant 2.432000e+03 : f32
    %broadcast_in_dim3A_586 = vector.broadcast %jit3A_585 : f32 to vector<128x128xf32>
    %select_n3A_587 = arith.select %lt3A_584, %broadcast_in_dim3A_586, %select_n3A_576 : vector<128x128xi1>, vector<128x128xf32>
    %min3A_588 = arith.minimumf %min3A_577, %add3A_583 : vector<128x128xf32>
    %slice3A_589 = vector.extract_strided_slice %slice3A_16 {offsets = [0, 6656], sizes = [128, 128], strides = [1, 1]} : vector<128x8192xf32> to vector<128x128xf32>
    %sub3A_590 = vector.broadcast %slice3A : vector<128x1xf32> to vector<128x128xf32>
    %sub3A_591 = arith.subf %sub3A_590, %slice3A_589 : vector<128x128xf32>
    %slice3A_592 = vector.extract_strided_slice %get3A_13 {offsets = [0, 6656], sizes = [1, 128], strides = [1, 1]} : vector<1x8192xf32> to vector<1x128xf32>
    %add3A_593 = vector.broadcast %slice3A_592 : vector<1x128xf32> to vector<128x128xf32>
    %add3A_594 = arith.addf %sub3A_591, %add3A_593 : vector<128x128xf32>
    %lt3A_595 = arith.cmpf olt, %add3A_594, %min3A_588 : vector<128x128xf32>
    %jit3A_596 = arith.constant 2.560000e+03 : f32
    %broadcast_in_dim3A_597 = vector.broadcast %jit3A_596 : f32 to vector<128x128xf32>
    %select_n3A_598 = arith.select %lt3A_595, %broadcast_in_dim3A_597, %select_n3A_587 : vector<128x128xi1>, vector<128x128xf32>
    %min3A_599 = arith.minimumf %min3A_588, %add3A_594 : vector<128x128xf32>
    %slice3A_600 = vector.extract_strided_slice %slice3A_16 {offsets = [0, 6784], sizes = [128, 128], strides = [1, 1]} : vector<128x8192xf32> to vector<128x128xf32>
    %sub3A_601 = vector.broadcast %slice3A : vector<128x1xf32> to vector<128x128xf32>
    %sub3A_602 = arith.subf %sub3A_601, %slice3A_600 : vector<128x128xf32>
    %slice3A_603 = vector.extract_strided_slice %get3A_13 {offsets = [0, 6784], sizes = [1, 128], strides = [1, 1]} : vector<1x8192xf32> to vector<1x128xf32>
    %add3A_604 = vector.broadcast %slice3A_603 : vector<1x128xf32> to vector<128x128xf32>
    %add3A_605 = arith.addf %sub3A_602, %add3A_604 : vector<128x128xf32>
    %lt3A_606 = arith.cmpf olt, %add3A_605, %min3A_599 : vector<128x128xf32>
    %jit3A_607 = arith.constant 2.688000e+03 : f32
    %broadcast_in_dim3A_608 = vector.broadcast %jit3A_607 : f32 to vector<128x128xf32>
    %select_n3A_609 = arith.select %lt3A_606, %broadcast_in_dim3A_608, %select_n3A_598 : vector<128x128xi1>, vector<128x128xf32>
    %min3A_610 = arith.minimumf %min3A_599, %add3A_605 : vector<128x128xf32>
    %slice3A_611 = vector.extract_strided_slice %slice3A_16 {offsets = [0, 6912], sizes = [128, 128], strides = [1, 1]} : vector<128x8192xf32> to vector<128x128xf32>
    %sub3A_612 = vector.broadcast %slice3A : vector<128x1xf32> to vector<128x128xf32>
    %sub3A_613 = arith.subf %sub3A_612, %slice3A_611 : vector<128x128xf32>
    %slice3A_614 = vector.extract_strided_slice %get3A_13 {offsets = [0, 6912], sizes = [1, 128], strides = [1, 1]} : vector<1x8192xf32> to vector<1x128xf32>
    %add3A_615 = vector.broadcast %slice3A_614 : vector<1x128xf32> to vector<128x128xf32>
    %add3A_616 = arith.addf %sub3A_613, %add3A_615 : vector<128x128xf32>
    %lt3A_617 = arith.cmpf olt, %add3A_616, %min3A_610 : vector<128x128xf32>
    %jit3A_618 = arith.constant 2.816000e+03 : f32
    %broadcast_in_dim3A_619 = vector.broadcast %jit3A_618 : f32 to vector<128x128xf32>
    %select_n3A_620 = arith.select %lt3A_617, %broadcast_in_dim3A_619, %select_n3A_609 : vector<128x128xi1>, vector<128x128xf32>
    %min3A_621 = arith.minimumf %min3A_610, %add3A_616 : vector<128x128xf32>
    %slice3A_622 = vector.extract_strided_slice %slice3A_16 {offsets = [0, 7040], sizes = [128, 128], strides = [1, 1]} : vector<128x8192xf32> to vector<128x128xf32>
    %sub3A_623 = vector.broadcast %slice3A : vector<128x1xf32> to vector<128x128xf32>
    %sub3A_624 = arith.subf %sub3A_623, %slice3A_622 : vector<128x128xf32>
    %slice3A_625 = vector.extract_strided_slice %get3A_13 {offsets = [0, 7040], sizes = [1, 128], strides = [1, 1]} : vector<1x8192xf32> to vector<1x128xf32>
    %add3A_626 = vector.broadcast %slice3A_625 : vector<1x128xf32> to vector<128x128xf32>
    %add3A_627 = arith.addf %sub3A_624, %add3A_626 : vector<128x128xf32>
    %lt3A_628 = arith.cmpf olt, %add3A_627, %min3A_621 : vector<128x128xf32>
    %jit3A_629 = arith.constant 2.944000e+03 : f32
    %broadcast_in_dim3A_630 = vector.broadcast %jit3A_629 : f32 to vector<128x128xf32>
    %select_n3A_631 = arith.select %lt3A_628, %broadcast_in_dim3A_630, %select_n3A_620 : vector<128x128xi1>, vector<128x128xf32>
    %min3A_632 = arith.minimumf %min3A_621, %add3A_627 : vector<128x128xf32>
    %slice3A_633 = vector.extract_strided_slice %slice3A_16 {offsets = [0, 7168], sizes = [128, 128], strides = [1, 1]} : vector<128x8192xf32> to vector<128x128xf32>
    %sub3A_634 = vector.broadcast %slice3A : vector<128x1xf32> to vector<128x128xf32>
    %sub3A_635 = arith.subf %sub3A_634, %slice3A_633 : vector<128x128xf32>
    %slice3A_636 = vector.extract_strided_slice %get3A_13 {offsets = [0, 7168], sizes = [1, 128], strides = [1, 1]} : vector<1x8192xf32> to vector<1x128xf32>
    %add3A_637 = vector.broadcast %slice3A_636 : vector<1x128xf32> to vector<128x128xf32>
    %add3A_638 = arith.addf %sub3A_635, %add3A_637 : vector<128x128xf32>
    %lt3A_639 = arith.cmpf olt, %add3A_638, %min3A_632 : vector<128x128xf32>
    %jit3A_640 = arith.constant 3.072000e+03 : f32
    %broadcast_in_dim3A_641 = vector.broadcast %jit3A_640 : f32 to vector<128x128xf32>
    %select_n3A_642 = arith.select %lt3A_639, %broadcast_in_dim3A_641, %select_n3A_631 : vector<128x128xi1>, vector<128x128xf32>
    %min3A_643 = arith.minimumf %min3A_632, %add3A_638 : vector<128x128xf32>
    %slice3A_644 = vector.extract_strided_slice %slice3A_16 {offsets = [0, 7296], sizes = [128, 128], strides = [1, 1]} : vector<128x8192xf32> to vector<128x128xf32>
    %sub3A_645 = vector.broadcast %slice3A : vector<128x1xf32> to vector<128x128xf32>
    %sub3A_646 = arith.subf %sub3A_645, %slice3A_644 : vector<128x128xf32>
    %slice3A_647 = vector.extract_strided_slice %get3A_13 {offsets = [0, 7296], sizes = [1, 128], strides = [1, 1]} : vector<1x8192xf32> to vector<1x128xf32>
    %add3A_648 = vector.broadcast %slice3A_647 : vector<1x128xf32> to vector<128x128xf32>
    %add3A_649 = arith.addf %sub3A_646, %add3A_648 : vector<128x128xf32>
    %lt3A_650 = arith.cmpf olt, %add3A_649, %min3A_643 : vector<128x128xf32>
    %jit3A_651 = arith.constant 3.200000e+03 : f32
    %broadcast_in_dim3A_652 = vector.broadcast %jit3A_651 : f32 to vector<128x128xf32>
    %select_n3A_653 = arith.select %lt3A_650, %broadcast_in_dim3A_652, %select_n3A_642 : vector<128x128xi1>, vector<128x128xf32>
    %min3A_654 = arith.minimumf %min3A_643, %add3A_649 : vector<128x128xf32>
    %slice3A_655 = vector.extract_strided_slice %slice3A_16 {offsets = [0, 7424], sizes = [128, 128], strides = [1, 1]} : vector<128x8192xf32> to vector<128x128xf32>
    %sub3A_656 = vector.broadcast %slice3A : vector<128x1xf32> to vector<128x128xf32>
    %sub3A_657 = arith.subf %sub3A_656, %slice3A_655 : vector<128x128xf32>
    %slice3A_658 = vector.extract_strided_slice %get3A_13 {offsets = [0, 7424], sizes = [1, 128], strides = [1, 1]} : vector<1x8192xf32> to vector<1x128xf32>
    %add3A_659 = vector.broadcast %slice3A_658 : vector<1x128xf32> to vector<128x128xf32>
    %add3A_660 = arith.addf %sub3A_657, %add3A_659 : vector<128x128xf32>
    %lt3A_661 = arith.cmpf olt, %add3A_660, %min3A_654 : vector<128x128xf32>
    %jit3A_662 = arith.constant 3.328000e+03 : f32
    %broadcast_in_dim3A_663 = vector.broadcast %jit3A_662 : f32 to vector<128x128xf32>
    %select_n3A_664 = arith.select %lt3A_661, %broadcast_in_dim3A_663, %select_n3A_653 : vector<128x128xi1>, vector<128x128xf32>
    %min3A_665 = arith.minimumf %min3A_654, %add3A_660 : vector<128x128xf32>
    %slice3A_666 = vector.extract_strided_slice %slice3A_16 {offsets = [0, 7552], sizes = [128, 128], strides = [1, 1]} : vector<128x8192xf32> to vector<128x128xf32>
    %sub3A_667 = vector.broadcast %slice3A : vector<128x1xf32> to vector<128x128xf32>
    %sub3A_668 = arith.subf %sub3A_667, %slice3A_666 : vector<128x128xf32>
    %slice3A_669 = vector.extract_strided_slice %get3A_13 {offsets = [0, 7552], sizes = [1, 128], strides = [1, 1]} : vector<1x8192xf32> to vector<1x128xf32>
    %add3A_670 = vector.broadcast %slice3A_669 : vector<1x128xf32> to vector<128x128xf32>
    %add3A_671 = arith.addf %sub3A_668, %add3A_670 : vector<128x128xf32>
    %lt3A_672 = arith.cmpf olt, %add3A_671, %min3A_665 : vector<128x128xf32>
    %jit3A_673 = arith.constant 3.456000e+03 : f32
    %broadcast_in_dim3A_674 = vector.broadcast %jit3A_673 : f32 to vector<128x128xf32>
    %select_n3A_675 = arith.select %lt3A_672, %broadcast_in_dim3A_674, %select_n3A_664 : vector<128x128xi1>, vector<128x128xf32>
    %min3A_676 = arith.minimumf %min3A_665, %add3A_671 : vector<128x128xf32>
    %slice3A_677 = vector.extract_strided_slice %slice3A_16 {offsets = [0, 7680], sizes = [128, 128], strides = [1, 1]} : vector<128x8192xf32> to vector<128x128xf32>
    %sub3A_678 = vector.broadcast %slice3A : vector<128x1xf32> to vector<128x128xf32>
    %sub3A_679 = arith.subf %sub3A_678, %slice3A_677 : vector<128x128xf32>
    %slice3A_680 = vector.extract_strided_slice %get3A_13 {offsets = [0, 7680], sizes = [1, 128], strides = [1, 1]} : vector<1x8192xf32> to vector<1x128xf32>
    %add3A_681 = vector.broadcast %slice3A_680 : vector<1x128xf32> to vector<128x128xf32>
    %add3A_682 = arith.addf %sub3A_679, %add3A_681 : vector<128x128xf32>
    %lt3A_683 = arith.cmpf olt, %add3A_682, %min3A_676 : vector<128x128xf32>
    %jit3A_684 = arith.constant 3.584000e+03 : f32
    %broadcast_in_dim3A_685 = vector.broadcast %jit3A_684 : f32 to vector<128x128xf32>
    %select_n3A_686 = arith.select %lt3A_683, %broadcast_in_dim3A_685, %select_n3A_675 : vector<128x128xi1>, vector<128x128xf32>
    %min3A_687 = arith.minimumf %min3A_676, %add3A_682 : vector<128x128xf32>
    %slice3A_688 = vector.extract_strided_slice %slice3A_16 {offsets = [0, 7808], sizes = [128, 128], strides = [1, 1]} : vector<128x8192xf32> to vector<128x128xf32>
    %sub3A_689 = vector.broadcast %slice3A : vector<128x1xf32> to vector<128x128xf32>
    %sub3A_690 = arith.subf %sub3A_689, %slice3A_688 : vector<128x128xf32>
    %slice3A_691 = vector.extract_strided_slice %get3A_13 {offsets = [0, 7808], sizes = [1, 128], strides = [1, 1]} : vector<1x8192xf32> to vector<1x128xf32>
    %add3A_692 = vector.broadcast %slice3A_691 : vector<1x128xf32> to vector<128x128xf32>
    %add3A_693 = arith.addf %sub3A_690, %add3A_692 : vector<128x128xf32>
    %lt3A_694 = arith.cmpf olt, %add3A_693, %min3A_687 : vector<128x128xf32>
    %jit3A_695 = arith.constant 3.712000e+03 : f32
    %broadcast_in_dim3A_696 = vector.broadcast %jit3A_695 : f32 to vector<128x128xf32>
    %select_n3A_697 = arith.select %lt3A_694, %broadcast_in_dim3A_696, %select_n3A_686 : vector<128x128xi1>, vector<128x128xf32>
    %min3A_698 = arith.minimumf %min3A_687, %add3A_693 : vector<128x128xf32>
    %slice3A_699 = vector.extract_strided_slice %slice3A_16 {offsets = [0, 7936], sizes = [128, 128], strides = [1, 1]} : vector<128x8192xf32> to vector<128x128xf32>
    %sub3A_700 = vector.broadcast %slice3A : vector<128x1xf32> to vector<128x128xf32>
    %sub3A_701 = arith.subf %sub3A_700, %slice3A_699 : vector<128x128xf32>
    %slice3A_702 = vector.extract_strided_slice %get3A_13 {offsets = [0, 7936], sizes = [1, 128], strides = [1, 1]} : vector<1x8192xf32> to vector<1x128xf32>
    %add3A_703 = vector.broadcast %slice3A_702 : vector<1x128xf32> to vector<128x128xf32>
    %add3A_704 = arith.addf %sub3A_701, %add3A_703 : vector<128x128xf32>
    %lt3A_705 = arith.cmpf olt, %add3A_704, %min3A_698 : vector<128x128xf32>
    %jit3A_706 = arith.constant 3.840000e+03 : f32
    %broadcast_in_dim3A_707 = vector.broadcast %jit3A_706 : f32 to vector<128x128xf32>
    %select_n3A_708 = arith.select %lt3A_705, %broadcast_in_dim3A_707, %select_n3A_697 : vector<128x128xi1>, vector<128x128xf32>
    %min3A_709 = arith.minimumf %min3A_698, %add3A_704 : vector<128x128xf32>
    %slice3A_710 = vector.extract_strided_slice %slice3A_16 {offsets = [0, 8064], sizes = [128, 128], strides = [1, 1]} : vector<128x8192xf32> to vector<128x128xf32>
    %sub3A_711 = vector.broadcast %slice3A : vector<128x1xf32> to vector<128x128xf32>
    %sub3A_712 = arith.subf %sub3A_711, %slice3A_710 : vector<128x128xf32>
    %slice3A_713 = vector.extract_strided_slice %get3A_13 {offsets = [0, 8064], sizes = [1, 128], strides = [1, 1]} : vector<1x8192xf32> to vector<1x128xf32>
    %add3A_714 = vector.broadcast %slice3A_713 : vector<1x128xf32> to vector<128x128xf32>
    %add3A_715 = arith.addf %sub3A_712, %add3A_714 : vector<128x128xf32>
    %lt3A_716 = arith.cmpf olt, %add3A_715, %min3A_709 : vector<128x128xf32>
    %jit3A_717 = arith.constant 3.968000e+03 : f32
    %broadcast_in_dim3A_718 = vector.broadcast %jit3A_717 : f32 to vector<128x128xf32>
    %select_n3A_719 = arith.select %lt3A_716, %broadcast_in_dim3A_718, %select_n3A_708 : vector<128x128xi1>, vector<128x128xf32>
    %min3A_720 = arith.minimumf %min3A_709, %add3A_715 : vector<128x128xf32>
    %reduce_min3A_721 = arith.constant dense<0x7F800000> : vector<128xf32>
    %reduce_min3A_722 = vector.multi_reduction <minimumf>, %min3A_720, %reduce_min3A_721 [1] : vector<128x128xf32> to vector<128xf32>
    %broadcast_in_dim3A_723 = vector.shape_cast %reduce_min3A_722 : vector<128xf32> to vector<128x1xf32>
    %eq3A_724 = vector.broadcast %broadcast_in_dim3A_723 : vector<128x1xf32> to vector<128x128xf32>
    %eq3A_725 = arith.cmpf oeq, %min3A_720, %eq3A_724 : vector<128x128xf32>
    %add3A_726 = vector.broadcast %convert_element_type3A_14 : vector<1x128xf32> to vector<128x128xf32>
    %add3A_727 = arith.addf %select_n3A_719, %add3A_726 : vector<128x128xf32>
    %jit3A_728 = arith.constant 8.192000e+03 : f32
    %broadcast_in_dim3A_729 = vector.broadcast %jit3A_728 : f32 to vector<128x128xf32>
    %select_n3A_730 = arith.select %eq3A_725, %add3A_727, %broadcast_in_dim3A_729 : vector<128x128xi1>, vector<128x128xf32>
    %reduce_min3A_731 = arith.constant dense<0x7F800000> : vector<128xf32>
    %reduce_min3A_732 = vector.multi_reduction <minimumf>, %select_n3A_730, %reduce_min3A_731 [1] : vector<128x128xf32> to vector<128xf32>
    %convert_element_type3A_733 = arith.fptosi %reduce_min3A_371 : vector<128xf32> to vector<128xi32>
    %convert_element_type3A_734 = arith.fptosi %reduce_min3A_732 : vector<128xf32> to vector<128xi32>
    %add3A_735 = arith.constant 4096 : i32
    %add3A_736 = vector.broadcast %add3A_735 : i32 to vector<128xi32>
    %add3A_737 = arith.addi %convert_element_type3A_734, %add3A_736 : vector<128xi32>
    %convert_element_type3A_738 = arith.truncf %broadcast_in_dim3A_362 : vector<128x1xf32> to vector<128x1xbf16>
    %convert_element_type3A_739 = arith.extf %convert_element_type3A_738 : vector<128x1xbf16> to vector<128x1xf32>
    %lt3A_740 = arith.cmpf olt, %broadcast_in_dim3A_723, %convert_element_type3A_739 : vector<128x1xf32>
    %squeeze3A = vector.shape_cast %lt3A_740 : vector<128x1xi1> to vector<128xi1>
    %select_n3A_741 = arith.select %squeeze3A, %add3A_737, %convert_element_type3A_733 : vector<128xi1>, vector<128xi32>
    %swap3A = arith.constant 0 : index
    %swap3A_742 = vector.load %arg5[%swap3A] : memref<256xi32, #tpu.memory_space<vmem>>, vector<128xi32>
    tpu.vector_store %arg5[%swap3A], %select_n3A_741 {strides = array<i32>} : memref<256xi32, #tpu.memory_space<vmem>>, vector<128xi32>,
    %select_n3A_743 = arith.select %lt3A_740, %broadcast_in_dim3A_723, %broadcast_in_dim3A_362 : vector<128x1xi1>, vector<128x1xf32>
    %reduce_sum3A = vector.shape_cast %select_n3A_743 : vector<128x1xf32> to vector<1x128x1xf32>
    %reduce_sum3A_744 = arith.constant dense<0.000000e+00> : vector<1xf32>
    %reduce_sum3A_745 = vector.multi_reduction <add>, %reduce_sum3A, %reduce_sum3A_744 [1, 2] : vector<1x128x1xf32> to vector<1xf32>
    %reduce_sum3A_746 = vector.shape_cast %reduce_sum3A_745 : vector<1xf32> to vector<1x1x1xf32>
    %reduce_sum3A_747 = vector.extract %reduce_sum3A_746[0, 0, 0] : f32 from vector<1x1x1xf32>
    %reshape3A = vector.broadcast %reduce_sum3A_747 : f32 to vector<1x1xf32>
    %add3A_748 = arith.addf %broadcast_in_dim3A_15, %reshape3A : vector<1x1xf32>
    %slice3A_749 = vector.extract_strided_slice %get3A_6 {offsets = [128, 0], sizes = [128, 1], strides = [1, 1]} : vector<256x1xf32> to vector<128x1xf32>
    %slice3A_750 = vector.extract_strided_slice %dot_general3A_10 {offsets = [128, 0], sizes = [128, 8192], strides = [1, 1]} : vector<256x8192xf32> to vector<128x8192xf32>
    %slice3A_751 = vector.extract_strided_slice %slice3A_750 {offsets = [0, 0], sizes = [128, 128], strides = [1, 1]} : vector<128x8192xf32> to vector<128x128xf32>
    %sub3A_752 = vector.broadcast %slice3A_749 : vector<128x1xf32> to vector<128x128xf32>
    %sub3A_753 = arith.subf %sub3A_752, %slice3A_751 : vector<128x128xf32>
    %slice3A_754 = vector.extract_strided_slice %get3A_13 {offsets = [0, 0], sizes = [1, 128], strides = [1, 1]} : vector<1x8192xf32> to vector<1x128xf32>
    %add3A_755 = vector.broadcast %slice3A_754 : vector<1x128xf32> to vector<128x128xf32>
    %add3A_756 = arith.addf %sub3A_753, %add3A_755 : vector<128x128xf32>
    %broadcast_in_dim3A_757 = arith.constant 0.000000e+00 : f32
    %broadcast_in_dim3A_758 = vector.broadcast %broadcast_in_dim3A_757 : f32 to vector<128x128xf32>
    %slice3A_759 = vector.extract_strided_slice %slice3A_750 {offsets = [0, 128], sizes = [128, 128], strides = [1, 1]} : vector<128x8192xf32> to vector<128x128xf32>
    %sub3A_760 = vector.broadcast %slice3A_749 : vector<128x1xf32> to vector<128x128xf32>
    %sub3A_761 = arith.subf %sub3A_760, %slice3A_759 : vector<128x128xf32>
    %slice3A_762 = vector.extract_strided_slice %get3A_13 {offsets = [0, 128], sizes = [1, 128], strides = [1, 1]} : vector<1x8192xf32> to vector<1x128xf32>
    %add3A_763 = vector.broadcast %slice3A_762 : vector<1x128xf32> to vector<128x128xf32>
    %add3A_764 = arith.addf %sub3A_761, %add3A_763 : vector<128x128xf32>
    %lt3A_765 = arith.cmpf olt, %add3A_764, %add3A_756 : vector<128x128xf32>
    %jit3A_766 = arith.constant 1.280000e+02 : f32
    %broadcast_in_dim3A_767 = vector.broadcast %jit3A_766 : f32 to vector<128x128xf32>
    %select_n3A_768 = arith.select %lt3A_765, %broadcast_in_dim3A_767, %broadcast_in_dim3A_758 : vector<128x128xi1>, vector<128x128xf32>
    %min3A_769 = arith.minimumf %add3A_756, %add3A_764 : vector<128x128xf32>
    %slice3A_770 = vector.extract_strided_slice %slice3A_750 {offsets = [0, 256], sizes = [128, 128], strides = [1, 1]} : vector<128x8192xf32> to vector<128x128xf32>
    %sub3A_771 = vector.broadcast %slice3A_749 : vector<128x1xf32> to vector<128x128xf32>
    %sub3A_772 = arith.subf %sub3A_771, %slice3A_770 : vector<128x128xf32>
    %slice3A_773 = vector.extract_strided_slice %get3A_13 {offsets = [0, 256], sizes = [1, 128], strides = [1, 1]} : vector<1x8192xf32> to vector<1x128xf32>
    %add3A_774 = vector.broadcast %slice3A_773 : vector<1x128xf32> to vector<128x128xf32>
    %add3A_775 = arith.addf %sub3A_772, %add3A_774 : vector<128x128xf32>
    %lt3A_776 = arith.cmpf olt, %add3A_775, %min3A_769 : vector<128x128xf32>
    %jit3A_777 = arith.constant 2.560000e+02 : f32
    %broadcast_in_dim3A_778 = vector.broadcast %jit3A_777 : f32 to vector<128x128xf32>
    %select_n3A_779 = arith.select %lt3A_776, %broadcast_in_dim3A_778, %select_n3A_768 : vector<128x128xi1>, vector<128x128xf32>
    %min3A_780 = arith.minimumf %min3A_769, %add3A_775 : vector<128x128xf32>
    %slice3A_781 = vector.extract_strided_slice %slice3A_750 {offsets = [0, 384], sizes = [128, 128], strides = [1, 1]} : vector<128x8192xf32> to vector<128x128xf32>
    %sub3A_782 = vector.broadcast %slice3A_749 : vector<128x1xf32> to vector<128x128xf32>
    %sub3A_783 = arith.subf %sub3A_782, %slice3A_781 : vector<128x128xf32>
    %slice3A_784 = vector.extract_strided_slice %get3A_13 {offsets = [0, 384], sizes = [1, 128], strides = [1, 1]} : vector<1x8192xf32> to vector<1x128xf32>
    %add3A_785 = vector.broadcast %slice3A_784 : vector<1x128xf32> to vector<128x128xf32>
    %add3A_786 = arith.addf %sub3A_783, %add3A_785 : vector<128x128xf32>
    %lt3A_787 = arith.cmpf olt, %add3A_786, %min3A_780 : vector<128x128xf32>
    %jit3A_788 = arith.constant 3.840000e+02 : f32
    %broadcast_in_dim3A_789 = vector.broadcast %jit3A_788 : f32 to vector<128x128xf32>
    %select_n3A_790 = arith.select %lt3A_787, %broadcast_in_dim3A_789, %select_n3A_779 : vector<128x128xi1>, vector<128x128xf32>
    %min3A_791 = arith.minimumf %min3A_780, %add3A_786 : vector<128x128xf32>
    %slice3A_792 = vector.extract_strided_slice %slice3A_750 {offsets = [0, 512], sizes = [128, 128], strides = [1, 1]} : vector<128x8192xf32> to vector<128x128xf32>
    %sub3A_793 = vector.broadcast %slice3A_749 : vector<128x1xf32> to vector<128x128xf32>
    %sub3A_794 = arith.subf %sub3A_793, %slice3A_792 : vector<128x128xf32>
    %slice3A_795 = vector.extract_strided_slice %get3A_13 {offsets = [0, 512], sizes = [1, 128], strides = [1, 1]} : vector<1x8192xf32> to vector<1x128xf32>
    %add3A_796 = vector.broadcast %slice3A_795 : vector<1x128xf32> to vector<128x128xf32>
    %add3A_797 = arith.addf %sub3A_794, %add3A_796 : vector<128x128xf32>
    %lt3A_798 = arith.cmpf olt, %add3A_797, %min3A_791 : vector<128x128xf32>
    %jit3A_799 = arith.constant 5.120000e+02 : f32
    %broadcast_in_dim3A_800 = vector.broadcast %jit3A_799 : f32 to vector<128x128xf32>
    %select_n3A_801 = arith.select %lt3A_798, %broadcast_in_dim3A_800, %select_n3A_790 : vector<128x128xi1>, vector<128x128xf32>
    %min3A_802 = arith.minimumf %min3A_791, %add3A_797 : vector<128x128xf32>
    %slice3A_803 = vector.extract_strided_slice %slice3A_750 {offsets = [0, 640], sizes = [128, 128], strides = [1, 1]} : vector<128x8192xf32> to vector<128x128xf32>
    %sub3A_804 = vector.broadcast %slice3A_749 : vector<128x1xf32> to vector<128x128xf32>
    %sub3A_805 = arith.subf %sub3A_804, %slice3A_803 : vector<128x128xf32>
    %slice3A_806 = vector.extract_strided_slice %get3A_13 {offsets = [0, 640], sizes = [1, 128], strides = [1, 1]} : vector<1x8192xf32> to vector<1x128xf32>
    %add3A_807 = vector.broadcast %slice3A_806 : vector<1x128xf32> to vector<128x128xf32>
    %add3A_808 = arith.addf %sub3A_805, %add3A_807 : vector<128x128xf32>
    %lt3A_809 = arith.cmpf olt, %add3A_808, %min3A_802 : vector<128x128xf32>
    %jit3A_810 = arith.constant 6.400000e+02 : f32
    %broadcast_in_dim3A_811 = vector.broadcast %jit3A_810 : f32 to vector<128x128xf32>
    %select_n3A_812 = arith.select %lt3A_809, %broadcast_in_dim3A_811, %select_n3A_801 : vector<128x128xi1>, vector<128x128xf32>
    %min3A_813 = arith.minimumf %min3A_802, %add3A_808 : vector<128x128xf32>
    %slice3A_814 = vector.extract_strided_slice %slice3A_750 {offsets = [0, 768], sizes = [128, 128], strides = [1, 1]} : vector<128x8192xf32> to vector<128x128xf32>
    %sub3A_815 = vector.broadcast %slice3A_749 : vector<128x1xf32> to vector<128x128xf32>
    %sub3A_816 = arith.subf %sub3A_815, %slice3A_814 : vector<128x128xf32>
    %slice3A_817 = vector.extract_strided_slice %get3A_13 {offsets = [0, 768], sizes = [1, 128], strides = [1, 1]} : vector<1x8192xf32> to vector<1x128xf32>
    %add3A_818 = vector.broadcast %slice3A_817 : vector<1x128xf32> to vector<128x128xf32>
    %add3A_819 = arith.addf %sub3A_816, %add3A_818 : vector<128x128xf32>
    %lt3A_820 = arith.cmpf olt, %add3A_819, %min3A_813 : vector<128x128xf32>
    %jit3A_821 = arith.constant 7.680000e+02 : f32
    %broadcast_in_dim3A_822 = vector.broadcast %jit3A_821 : f32 to vector<128x128xf32>
    %select_n3A_823 = arith.select %lt3A_820, %broadcast_in_dim3A_822, %select_n3A_812 : vector<128x128xi1>, vector<128x128xf32>
    %min3A_824 = arith.minimumf %min3A_813, %add3A_819 : vector<128x128xf32>
    %slice3A_825 = vector.extract_strided_slice %slice3A_750 {offsets = [0, 896], sizes = [128, 128], strides = [1, 1]} : vector<128x8192xf32> to vector<128x128xf32>
    %sub3A_826 = vector.broadcast %slice3A_749 : vector<128x1xf32> to vector<128x128xf32>
    %sub3A_827 = arith.subf %sub3A_826, %slice3A_825 : vector<128x128xf32>
    %slice3A_828 = vector.extract_strided_slice %get3A_13 {offsets = [0, 896], sizes = [1, 128], strides = [1, 1]} : vector<1x8192xf32> to vector<1x128xf32>
    %add3A_829 = vector.broadcast %slice3A_828 : vector<1x128xf32> to vector<128x128xf32>
    %add3A_830 = arith.addf %sub3A_827, %add3A_829 : vector<128x128xf32>
    %lt3A_831 = arith.cmpf olt, %add3A_830, %min3A_824 : vector<128x128xf32>
    %jit3A_832 = arith.constant 8.960000e+02 : f32
    %broadcast_in_dim3A_833 = vector.broadcast %jit3A_832 : f32 to vector<128x128xf32>
    %select_n3A_834 = arith.select %lt3A_831, %broadcast_in_dim3A_833, %select_n3A_823 : vector<128x128xi1>, vector<128x128xf32>
    %min3A_835 = arith.minimumf %min3A_824, %add3A_830 : vector<128x128xf32>
    %slice3A_836 = vector.extract_strided_slice %slice3A_750 {offsets = [0, 1024], sizes = [128, 128], strides = [1, 1]} : vector<128x8192xf32> to vector<128x128xf32>
    %sub3A_837 = vector.broadcast %slice3A_749 : vector<128x1xf32> to vector<128x128xf32>
    %sub3A_838 = arith.subf %sub3A_837, %slice3A_836 : vector<128x128xf32>
    %slice3A_839 = vector.extract_strided_slice %get3A_13 {offsets = [0, 1024], sizes = [1, 128], strides = [1, 1]} : vector<1x8192xf32> to vector<1x128xf32>
    %add3A_840 = vector.broadcast %slice3A_839 : vector<1x128xf32> to vector<128x128xf32>
    %add3A_841 = arith.addf %sub3A_838, %add3A_840 : vector<128x128xf32>
    %lt3A_842 = arith.cmpf olt, %add3A_841, %min3A_835 : vector<128x128xf32>
    %jit3A_843 = arith.constant 1.024000e+03 : f32
    %broadcast_in_dim3A_844 = vector.broadcast %jit3A_843 : f32 to vector<128x128xf32>
    %select_n3A_845 = arith.select %lt3A_842, %broadcast_in_dim3A_844, %select_n3A_834 : vector<128x128xi1>, vector<128x128xf32>
    %min3A_846 = arith.minimumf %min3A_835, %add3A_841 : vector<128x128xf32>
    %slice3A_847 = vector.extract_strided_slice %slice3A_750 {offsets = [0, 1152], sizes = [128, 128], strides = [1, 1]} : vector<128x8192xf32> to vector<128x128xf32>
    %sub3A_848 = vector.broadcast %slice3A_749 : vector<128x1xf32> to vector<128x128xf32>
    %sub3A_849 = arith.subf %sub3A_848, %slice3A_847 : vector<128x128xf32>
    %slice3A_850 = vector.extract_strided_slice %get3A_13 {offsets = [0, 1152], sizes = [1, 128], strides = [1, 1]} : vector<1x8192xf32> to vector<1x128xf32>
    %add3A_851 = vector.broadcast %slice3A_850 : vector<1x128xf32> to vector<128x128xf32>
    %add3A_852 = arith.addf %sub3A_849, %add3A_851 : vector<128x128xf32>
    %lt3A_853 = arith.cmpf olt, %add3A_852, %min3A_846 : vector<128x128xf32>
    %jit3A_854 = arith.constant 1.152000e+03 : f32
    %broadcast_in_dim3A_855 = vector.broadcast %jit3A_854 : f32 to vector<128x128xf32>
    %select_n3A_856 = arith.select %lt3A_853, %broadcast_in_dim3A_855, %select_n3A_845 : vector<128x128xi1>, vector<128x128xf32>
    %min3A_857 = arith.minimumf %min3A_846, %add3A_852 : vector<128x128xf32>
    %slice3A_858 = vector.extract_strided_slice %slice3A_750 {offsets = [0, 1280], sizes = [128, 128], strides = [1, 1]} : vector<128x8192xf32> to vector<128x128xf32>
    %sub3A_859 = vector.broadcast %slice3A_749 : vector<128x1xf32> to vector<128x128xf32>
    %sub3A_860 = arith.subf %sub3A_859, %slice3A_858 : vector<128x128xf32>
    %slice3A_861 = vector.extract_strided_slice %get3A_13 {offsets = [0, 1280], sizes = [1, 128], strides = [1, 1]} : vector<1x8192xf32> to vector<1x128xf32>
    %add3A_862 = vector.broadcast %slice3A_861 : vector<1x128xf32> to vector<128x128xf32>
    %add3A_863 = arith.addf %sub3A_860, %add3A_862 : vector<128x128xf32>
    %lt3A_864 = arith.cmpf olt, %add3A_863, %min3A_857 : vector<128x128xf32>
    %jit3A_865 = arith.constant 1.280000e+03 : f32
    %broadcast_in_dim3A_866 = vector.broadcast %jit3A_865 : f32 to vector<128x128xf32>
    %select_n3A_867 = arith.select %lt3A_864, %broadcast_in_dim3A_866, %select_n3A_856 : vector<128x128xi1>, vector<128x128xf32>
    %min3A_868 = arith.minimumf %min3A_857, %add3A_863 : vector<128x128xf32>
    %slice3A_869 = vector.extract_strided_slice %slice3A_750 {offsets = [0, 1408], sizes = [128, 128], strides = [1, 1]} : vector<128x8192xf32> to vector<128x128xf32>
    %sub3A_870 = vector.broadcast %slice3A_749 : vector<128x1xf32> to vector<128x128xf32>
    %sub3A_871 = arith.subf %sub3A_870, %slice3A_869 : vector<128x128xf32>
    %slice3A_872 = vector.extract_strided_slice %get3A_13 {offsets = [0, 1408], sizes = [1, 128], strides = [1, 1]} : vector<1x8192xf32> to vector<1x128xf32>
    %add3A_873 = vector.broadcast %slice3A_872 : vector<1x128xf32> to vector<128x128xf32>
    %add3A_874 = arith.addf %sub3A_871, %add3A_873 : vector<128x128xf32>
    %lt3A_875 = arith.cmpf olt, %add3A_874, %min3A_868 : vector<128x128xf32>
    %jit3A_876 = arith.constant 1.408000e+03 : f32
    %broadcast_in_dim3A_877 = vector.broadcast %jit3A_876 : f32 to vector<128x128xf32>
    %select_n3A_878 = arith.select %lt3A_875, %broadcast_in_dim3A_877, %select_n3A_867 : vector<128x128xi1>, vector<128x128xf32>
    %min3A_879 = arith.minimumf %min3A_868, %add3A_874 : vector<128x128xf32>
    %slice3A_880 = vector.extract_strided_slice %slice3A_750 {offsets = [0, 1536], sizes = [128, 128], strides = [1, 1]} : vector<128x8192xf32> to vector<128x128xf32>
    %sub3A_881 = vector.broadcast %slice3A_749 : vector<128x1xf32> to vector<128x128xf32>
    %sub3A_882 = arith.subf %sub3A_881, %slice3A_880 : vector<128x128xf32>
    %slice3A_883 = vector.extract_strided_slice %get3A_13 {offsets = [0, 1536], sizes = [1, 128], strides = [1, 1]} : vector<1x8192xf32> to vector<1x128xf32>
    %add3A_884 = vector.broadcast %slice3A_883 : vector<1x128xf32> to vector<128x128xf32>
    %add3A_885 = arith.addf %sub3A_882, %add3A_884 : vector<128x128xf32>
    %lt3A_886 = arith.cmpf olt, %add3A_885, %min3A_879 : vector<128x128xf32>
    %jit3A_887 = arith.constant 1.536000e+03 : f32
    %broadcast_in_dim3A_888 = vector.broadcast %jit3A_887 : f32 to vector<128x128xf32>
    %select_n3A_889 = arith.select %lt3A_886, %broadcast_in_dim3A_888, %select_n3A_878 : vector<128x128xi1>, vector<128x128xf32>
    %min3A_890 = arith.minimumf %min3A_879, %add3A_885 : vector<128x128xf32>
    %slice3A_891 = vector.extract_strided_slice %slice3A_750 {offsets = [0, 1664], sizes = [128, 128], strides = [1, 1]} : vector<128x8192xf32> to vector<128x128xf32>
    %sub3A_892 = vector.broadcast %slice3A_749 : vector<128x1xf32> to vector<128x128xf32>
    %sub3A_893 = arith.subf %sub3A_892, %slice3A_891 : vector<128x128xf32>
    %slice3A_894 = vector.extract_strided_slice %get3A_13 {offsets = [0, 1664], sizes = [1, 128], strides = [1, 1]} : vector<1x8192xf32> to vector<1x128xf32>
    %add3A_895 = vector.broadcast %slice3A_894 : vector<1x128xf32> to vector<128x128xf32>
    %add3A_896 = arith.addf %sub3A_893, %add3A_895 : vector<128x128xf32>
    %lt3A_897 = arith.cmpf olt, %add3A_896, %min3A_890 : vector<128x128xf32>
    %jit3A_898 = arith.constant 1.664000e+03 : f32
    %broadcast_in_dim3A_899 = vector.broadcast %jit3A_898 : f32 to vector<128x128xf32>
    %select_n3A_900 = arith.select %lt3A_897, %broadcast_in_dim3A_899, %select_n3A_889 : vector<128x128xi1>, vector<128x128xf32>
    %min3A_901 = arith.minimumf %min3A_890, %add3A_896 : vector<128x128xf32>
    %slice3A_902 = vector.extract_strided_slice %slice3A_750 {offsets = [0, 1792], sizes = [128, 128], strides = [1, 1]} : vector<128x8192xf32> to vector<128x128xf32>
    %sub3A_903 = vector.broadcast %slice3A_749 : vector<128x1xf32> to vector<128x128xf32>
    %sub3A_904 = arith.subf %sub3A_903, %slice3A_902 : vector<128x128xf32>
    %slice3A_905 = vector.extract_strided_slice %get3A_13 {offsets = [0, 1792], sizes = [1, 128], strides = [1, 1]} : vector<1x8192xf32> to vector<1x128xf32>
    %add3A_906 = vector.broadcast %slice3A_905 : vector<1x128xf32> to vector<128x128xf32>
    %add3A_907 = arith.addf %sub3A_904, %add3A_906 : vector<128x128xf32>
    %lt3A_908 = arith.cmpf olt, %add3A_907, %min3A_901 : vector<128x128xf32>
    %jit3A_909 = arith.constant 1.792000e+03 : f32
    %broadcast_in_dim3A_910 = vector.broadcast %jit3A_909 : f32 to vector<128x128xf32>
    %select_n3A_911 = arith.select %lt3A_908, %broadcast_in_dim3A_910, %select_n3A_900 : vector<128x128xi1>, vector<128x128xf32>
    %min3A_912 = arith.minimumf %min3A_901, %add3A_907 : vector<128x128xf32>
    %slice3A_913 = vector.extract_strided_slice %slice3A_750 {offsets = [0, 1920], sizes = [128, 128], strides = [1, 1]} : vector<128x8192xf32> to vector<128x128xf32>
    %sub3A_914 = vector.broadcast %slice3A_749 : vector<128x1xf32> to vector<128x128xf32>
    %sub3A_915 = arith.subf %sub3A_914, %slice3A_913 : vector<128x128xf32>
    %slice3A_916 = vector.extract_strided_slice %get3A_13 {offsets = [0, 1920], sizes = [1, 128], strides = [1, 1]} : vector<1x8192xf32> to vector<1x128xf32>
    %add3A_917 = vector.broadcast %slice3A_916 : vector<1x128xf32> to vector<128x128xf32>
    %add3A_918 = arith.addf %sub3A_915, %add3A_917 : vector<128x128xf32>
    %lt3A_919 = arith.cmpf olt, %add3A_918, %min3A_912 : vector<128x128xf32>
    %jit3A_920 = arith.constant 1.920000e+03 : f32
    %broadcast_in_dim3A_921 = vector.broadcast %jit3A_920 : f32 to vector<128x128xf32>
    %select_n3A_922 = arith.select %lt3A_919, %broadcast_in_dim3A_921, %select_n3A_911 : vector<128x128xi1>, vector<128x128xf32>
    %min3A_923 = arith.minimumf %min3A_912, %add3A_918 : vector<128x128xf32>
    %slice3A_924 = vector.extract_strided_slice %slice3A_750 {offsets = [0, 2048], sizes = [128, 128], strides = [1, 1]} : vector<128x8192xf32> to vector<128x128xf32>
    %sub3A_925 = vector.broadcast %slice3A_749 : vector<128x1xf32> to vector<128x128xf32>
    %sub3A_926 = arith.subf %sub3A_925, %slice3A_924 : vector<128x128xf32>
    %slice3A_927 = vector.extract_strided_slice %get3A_13 {offsets = [0, 2048], sizes = [1, 128], strides = [1, 1]} : vector<1x8192xf32> to vector<1x128xf32>
    %add3A_928 = vector.broadcast %slice3A_927 : vector<1x128xf32> to vector<128x128xf32>
    %add3A_929 = arith.addf %sub3A_926, %add3A_928 : vector<128x128xf32>
    %lt3A_930 = arith.cmpf olt, %add3A_929, %min3A_923 : vector<128x128xf32>
    %jit3A_931 = arith.constant 2.048000e+03 : f32
    %broadcast_in_dim3A_932 = vector.broadcast %jit3A_931 : f32 to vector<128x128xf32>
    %select_n3A_933 = arith.select %lt3A_930, %broadcast_in_dim3A_932, %select_n3A_922 : vector<128x128xi1>, vector<128x128xf32>
    %min3A_934 = arith.minimumf %min3A_923, %add3A_929 : vector<128x128xf32>
    %slice3A_935 = vector.extract_strided_slice %slice3A_750 {offsets = [0, 2176], sizes = [128, 128], strides = [1, 1]} : vector<128x8192xf32> to vector<128x128xf32>
    %sub3A_936 = vector.broadcast %slice3A_749 : vector<128x1xf32> to vector<128x128xf32>
    %sub3A_937 = arith.subf %sub3A_936, %slice3A_935 : vector<128x128xf32>
    %slice3A_938 = vector.extract_strided_slice %get3A_13 {offsets = [0, 2176], sizes = [1, 128], strides = [1, 1]} : vector<1x8192xf32> to vector<1x128xf32>
    %add3A_939 = vector.broadcast %slice3A_938 : vector<1x128xf32> to vector<128x128xf32>
    %add3A_940 = arith.addf %sub3A_937, %add3A_939 : vector<128x128xf32>
    %lt3A_941 = arith.cmpf olt, %add3A_940, %min3A_934 : vector<128x128xf32>
    %jit3A_942 = arith.constant 2.176000e+03 : f32
    %broadcast_in_dim3A_943 = vector.broadcast %jit3A_942 : f32 to vector<128x128xf32>
    %select_n3A_944 = arith.select %lt3A_941, %broadcast_in_dim3A_943, %select_n3A_933 : vector<128x128xi1>, vector<128x128xf32>
    %min3A_945 = arith.minimumf %min3A_934, %add3A_940 : vector<128x128xf32>
    %slice3A_946 = vector.extract_strided_slice %slice3A_750 {offsets = [0, 2304], sizes = [128, 128], strides = [1, 1]} : vector<128x8192xf32> to vector<128x128xf32>
    %sub3A_947 = vector.broadcast %slice3A_749 : vector<128x1xf32> to vector<128x128xf32>
    %sub3A_948 = arith.subf %sub3A_947, %slice3A_946 : vector<128x128xf32>
    %slice3A_949 = vector.extract_strided_slice %get3A_13 {offsets = [0, 2304], sizes = [1, 128], strides = [1, 1]} : vector<1x8192xf32> to vector<1x128xf32>
    %add3A_950 = vector.broadcast %slice3A_949 : vector<1x128xf32> to vector<128x128xf32>
    %add3A_951 = arith.addf %sub3A_948, %add3A_950 : vector<128x128xf32>
    %lt3A_952 = arith.cmpf olt, %add3A_951, %min3A_945 : vector<128x128xf32>
    %jit3A_953 = arith.constant 2.304000e+03 : f32
    %broadcast_in_dim3A_954 = vector.broadcast %jit3A_953 : f32 to vector<128x128xf32>
    %select_n3A_955 = arith.select %lt3A_952, %broadcast_in_dim3A_954, %select_n3A_944 : vector<128x128xi1>, vector<128x128xf32>
    %min3A_956 = arith.minimumf %min3A_945, %add3A_951 : vector<128x128xf32>
    %slice3A_957 = vector.extract_strided_slice %slice3A_750 {offsets = [0, 2432], sizes = [128, 128], strides = [1, 1]} : vector<128x8192xf32> to vector<128x128xf32>
    %sub3A_958 = vector.broadcast %slice3A_749 : vector<128x1xf32> to vector<128x128xf32>
    %sub3A_959 = arith.subf %sub3A_958, %slice3A_957 : vector<128x128xf32>
    %slice3A_960 = vector.extract_strided_slice %get3A_13 {offsets = [0, 2432], sizes = [1, 128], strides = [1, 1]} : vector<1x8192xf32> to vector<1x128xf32>
    %add3A_961 = vector.broadcast %slice3A_960 : vector<1x128xf32> to vector<128x128xf32>
    %add3A_962 = arith.addf %sub3A_959, %add3A_961 : vector<128x128xf32>
    %lt3A_963 = arith.cmpf olt, %add3A_962, %min3A_956 : vector<128x128xf32>
    %jit3A_964 = arith.constant 2.432000e+03 : f32
    %broadcast_in_dim3A_965 = vector.broadcast %jit3A_964 : f32 to vector<128x128xf32>
    %select_n3A_966 = arith.select %lt3A_963, %broadcast_in_dim3A_965, %select_n3A_955 : vector<128x128xi1>, vector<128x128xf32>
    %min3A_967 = arith.minimumf %min3A_956, %add3A_962 : vector<128x128xf32>
    %slice3A_968 = vector.extract_strided_slice %slice3A_750 {offsets = [0, 2560], sizes = [128, 128], strides = [1, 1]} : vector<128x8192xf32> to vector<128x128xf32>
    %sub3A_969 = vector.broadcast %slice3A_749 : vector<128x1xf32> to vector<128x128xf32>
    %sub3A_970 = arith.subf %sub3A_969, %slice3A_968 : vector<128x128xf32>
    %slice3A_971 = vector.extract_strided_slice %get3A_13 {offsets = [0, 2560], sizes = [1, 128], strides = [1, 1]} : vector<1x8192xf32> to vector<1x128xf32>
    %add3A_972 = vector.broadcast %slice3A_971 : vector<1x128xf32> to vector<128x128xf32>
    %add3A_973 = arith.addf %sub3A_970, %add3A_972 : vector<128x128xf32>
    %lt3A_974 = arith.cmpf olt, %add3A_973, %min3A_967 : vector<128x128xf32>
    %jit3A_975 = arith.constant 2.560000e+03 : f32
    %broadcast_in_dim3A_976 = vector.broadcast %jit3A_975 : f32 to vector<128x128xf32>
    %select_n3A_977 = arith.select %lt3A_974, %broadcast_in_dim3A_976, %select_n3A_966 : vector<128x128xi1>, vector<128x128xf32>
    %min3A_978 = arith.minimumf %min3A_967, %add3A_973 : vector<128x128xf32>
    %slice3A_979 = vector.extract_strided_slice %slice3A_750 {offsets = [0, 2688], sizes = [128, 128], strides = [1, 1]} : vector<128x8192xf32> to vector<128x128xf32>
    %sub3A_980 = vector.broadcast %slice3A_749 : vector<128x1xf32> to vector<128x128xf32>
    %sub3A_981 = arith.subf %sub3A_980, %slice3A_979 : vector<128x128xf32>
    %slice3A_982 = vector.extract_strided_slice %get3A_13 {offsets = [0, 2688], sizes = [1, 128], strides = [1, 1]} : vector<1x8192xf32> to vector<1x128xf32>
    %add3A_983 = vector.broadcast %slice3A_982 : vector<1x128xf32> to vector<128x128xf32>
    %add3A_984 = arith.addf %sub3A_981, %add3A_983 : vector<128x128xf32>
    %lt3A_985 = arith.cmpf olt, %add3A_984, %min3A_978 : vector<128x128xf32>
    %jit3A_986 = arith.constant 2.688000e+03 : f32
    %broadcast_in_dim3A_987 = vector.broadcast %jit3A_986 : f32 to vector<128x128xf32>
    %select_n3A_988 = arith.select %lt3A_985, %broadcast_in_dim3A_987, %select_n3A_977 : vector<128x128xi1>, vector<128x128xf32>
    %min3A_989 = arith.minimumf %min3A_978, %add3A_984 : vector<128x128xf32>
    %slice3A_990 = vector.extract_strided_slice %slice3A_750 {offsets = [0, 2816], sizes = [128, 128], strides = [1, 1]} : vector<128x8192xf32> to vector<128x128xf32>
    %sub3A_991 = vector.broadcast %slice3A_749 : vector<128x1xf32> to vector<128x128xf32>
    %sub3A_992 = arith.subf %sub3A_991, %slice3A_990 : vector<128x128xf32>
    %slice3A_993 = vector.extract_strided_slice %get3A_13 {offsets = [0, 2816], sizes = [1, 128], strides = [1, 1]} : vector<1x8192xf32> to vector<1x128xf32>
    %add3A_994 = vector.broadcast %slice3A_993 : vector<1x128xf32> to vector<128x128xf32>
    %add3A_995 = arith.addf %sub3A_992, %add3A_994 : vector<128x128xf32>
    %lt3A_996 = arith.cmpf olt, %add3A_995, %min3A_989 : vector<128x128xf32>
    %jit3A_997 = arith.constant 2.816000e+03 : f32
    %broadcast_in_dim3A_998 = vector.broadcast %jit3A_997 : f32 to vector<128x128xf32>
    %select_n3A_999 = arith.select %lt3A_996, %broadcast_in_dim3A_998, %select_n3A_988 : vector<128x128xi1>, vector<128x128xf32>
    %min3A_1000 = arith.minimumf %min3A_989, %add3A_995 : vector<128x128xf32>
    %slice3A_1001 = vector.extract_strided_slice %slice3A_750 {offsets = [0, 2944], sizes = [128, 128], strides = [1, 1]} : vector<128x8192xf32> to vector<128x128xf32>
    %sub3A_1002 = vector.broadcast %slice3A_749 : vector<128x1xf32> to vector<128x128xf32>
    %sub3A_1003 = arith.subf %sub3A_1002, %slice3A_1001 : vector<128x128xf32>
    %slice3A_1004 = vector.extract_strided_slice %get3A_13 {offsets = [0, 2944], sizes = [1, 128], strides = [1, 1]} : vector<1x8192xf32> to vector<1x128xf32>
    %add3A_1005 = vector.broadcast %slice3A_1004 : vector<1x128xf32> to vector<128x128xf32>
    %add3A_1006 = arith.addf %sub3A_1003, %add3A_1005 : vector<128x128xf32>
    %lt3A_1007 = arith.cmpf olt, %add3A_1006, %min3A_1000 : vector<128x128xf32>
    %jit3A_1008 = arith.constant 2.944000e+03 : f32
    %broadcast_in_dim3A_1009 = vector.broadcast %jit3A_1008 : f32 to vector<128x128xf32>
    %select_n3A_1010 = arith.select %lt3A_1007, %broadcast_in_dim3A_1009, %select_n3A_999 : vector<128x128xi1>, vector<128x128xf32>
    %min3A_1011 = arith.minimumf %min3A_1000, %add3A_1006 : vector<128x128xf32>
    %slice3A_1012 = vector.extract_strided_slice %slice3A_750 {offsets = [0, 3072], sizes = [128, 128], strides = [1, 1]} : vector<128x8192xf32> to vector<128x128xf32>
    %sub3A_1013 = vector.broadcast %slice3A_749 : vector<128x1xf32> to vector<128x128xf32>
    %sub3A_1014 = arith.subf %sub3A_1013, %slice3A_1012 : vector<128x128xf32>
    %slice3A_1015 = vector.extract_strided_slice %get3A_13 {offsets = [0, 3072], sizes = [1, 128], strides = [1, 1]} : vector<1x8192xf32> to vector<1x128xf32>
    %add3A_1016 = vector.broadcast %slice3A_1015 : vector<1x128xf32> to vector<128x128xf32>
    %add3A_1017 = arith.addf %sub3A_1014, %add3A_1016 : vector<128x128xf32>
    %lt3A_1018 = arith.cmpf olt, %add3A_1017, %min3A_1011 : vector<128x128xf32>
    %jit3A_1019 = arith.constant 3.072000e+03 : f32
    %broadcast_in_dim3A_1020 = vector.broadcast %jit3A_1019 : f32 to vector<128x128xf32>
    %select_n3A_1021 = arith.select %lt3A_1018, %broadcast_in_dim3A_1020, %select_n3A_1010 : vector<128x128xi1>, vector<128x128xf32>
    %min3A_1022 = arith.minimumf %min3A_1011, %add3A_1017 : vector<128x128xf32>
    %slice3A_1023 = vector.extract_strided_slice %slice3A_750 {offsets = [0, 3200], sizes = [128, 128], strides = [1, 1]} : vector<128x8192xf32> to vector<128x128xf32>
    %sub3A_1024 = vector.broadcast %slice3A_749 : vector<128x1xf32> to vector<128x128xf32>
    %sub3A_1025 = arith.subf %sub3A_1024, %slice3A_1023 : vector<128x128xf32>
    %slice3A_1026 = vector.extract_strided_slice %get3A_13 {offsets = [0, 3200], sizes = [1, 128], strides = [1, 1]} : vector<1x8192xf32> to vector<1x128xf32>
    %add3A_1027 = vector.broadcast %slice3A_1026 : vector<1x128xf32> to vector<128x128xf32>
    %add3A_1028 = arith.addf %sub3A_1025, %add3A_1027 : vector<128x128xf32>
    %lt3A_1029 = arith.cmpf olt, %add3A_1028, %min3A_1022 : vector<128x128xf32>
    %jit3A_1030 = arith.constant 3.200000e+03 : f32
    %broadcast_in_dim3A_1031 = vector.broadcast %jit3A_1030 : f32 to vector<128x128xf32>
    %select_n3A_1032 = arith.select %lt3A_1029, %broadcast_in_dim3A_1031, %select_n3A_1021 : vector<128x128xi1>, vector<128x128xf32>
    %min3A_1033 = arith.minimumf %min3A_1022, %add3A_1028 : vector<128x128xf32>
    %slice3A_1034 = vector.extract_strided_slice %slice3A_750 {offsets = [0, 3328], sizes = [128, 128], strides = [1, 1]} : vector<128x8192xf32> to vector<128x128xf32>
    %sub3A_1035 = vector.broadcast %slice3A_749 : vector<128x1xf32> to vector<128x128xf32>
    %sub3A_1036 = arith.subf %sub3A_1035, %slice3A_1034 : vector<128x128xf32>
    %slice3A_1037 = vector.extract_strided_slice %get3A_13 {offsets = [0, 3328], sizes = [1, 128], strides = [1, 1]} : vector<1x8192xf32> to vector<1x128xf32>
    %add3A_1038 = vector.broadcast %slice3A_1037 : vector<1x128xf32> to vector<128x128xf32>
    %add3A_1039 = arith.addf %sub3A_1036, %add3A_1038 : vector<128x128xf32>
    %lt3A_1040 = arith.cmpf olt, %add3A_1039, %min3A_1033 : vector<128x128xf32>
    %jit3A_1041 = arith.constant 3.328000e+03 : f32
    %broadcast_in_dim3A_1042 = vector.broadcast %jit3A_1041 : f32 to vector<128x128xf32>
    %select_n3A_1043 = arith.select %lt3A_1040, %broadcast_in_dim3A_1042, %select_n3A_1032 : vector<128x128xi1>, vector<128x128xf32>
    %min3A_1044 = arith.minimumf %min3A_1033, %add3A_1039 : vector<128x128xf32>
    %slice3A_1045 = vector.extract_strided_slice %slice3A_750 {offsets = [0, 3456], sizes = [128, 128], strides = [1, 1]} : vector<128x8192xf32> to vector<128x128xf32>
    %sub3A_1046 = vector.broadcast %slice3A_749 : vector<128x1xf32> to vector<128x128xf32>
    %sub3A_1047 = arith.subf %sub3A_1046, %slice3A_1045 : vector<128x128xf32>
    %slice3A_1048 = vector.extract_strided_slice %get3A_13 {offsets = [0, 3456], sizes = [1, 128], strides = [1, 1]} : vector<1x8192xf32> to vector<1x128xf32>
    %add3A_1049 = vector.broadcast %slice3A_1048 : vector<1x128xf32> to vector<128x128xf32>
    %add3A_1050 = arith.addf %sub3A_1047, %add3A_1049 : vector<128x128xf32>
    %lt3A_1051 = arith.cmpf olt, %add3A_1050, %min3A_1044 : vector<128x128xf32>
    %jit3A_1052 = arith.constant 3.456000e+03 : f32
    %broadcast_in_dim3A_1053 = vector.broadcast %jit3A_1052 : f32 to vector<128x128xf32>
    %select_n3A_1054 = arith.select %lt3A_1051, %broadcast_in_dim3A_1053, %select_n3A_1043 : vector<128x128xi1>, vector<128x128xf32>
    %min3A_1055 = arith.minimumf %min3A_1044, %add3A_1050 : vector<128x128xf32>
    %slice3A_1056 = vector.extract_strided_slice %slice3A_750 {offsets = [0, 3584], sizes = [128, 128], strides = [1, 1]} : vector<128x8192xf32> to vector<128x128xf32>
    %sub3A_1057 = vector.broadcast %slice3A_749 : vector<128x1xf32> to vector<128x128xf32>
    %sub3A_1058 = arith.subf %sub3A_1057, %slice3A_1056 : vector<128x128xf32>
    %slice3A_1059 = vector.extract_strided_slice %get3A_13 {offsets = [0, 3584], sizes = [1, 128], strides = [1, 1]} : vector<1x8192xf32> to vector<1x128xf32>
    %add3A_1060 = vector.broadcast %slice3A_1059 : vector<1x128xf32> to vector<128x128xf32>
    %add3A_1061 = arith.addf %sub3A_1058, %add3A_1060 : vector<128x128xf32>
    %lt3A_1062 = arith.cmpf olt, %add3A_1061, %min3A_1055 : vector<128x128xf32>
    %jit3A_1063 = arith.constant 3.584000e+03 : f32
    %broadcast_in_dim3A_1064 = vector.broadcast %jit3A_1063 : f32 to vector<128x128xf32>
    %select_n3A_1065 = arith.select %lt3A_1062, %broadcast_in_dim3A_1064, %select_n3A_1054 : vector<128x128xi1>, vector<128x128xf32>
    %min3A_1066 = arith.minimumf %min3A_1055, %add3A_1061 : vector<128x128xf32>
    %slice3A_1067 = vector.extract_strided_slice %slice3A_750 {offsets = [0, 3712], sizes = [128, 128], strides = [1, 1]} : vector<128x8192xf32> to vector<128x128xf32>
    %sub3A_1068 = vector.broadcast %slice3A_749 : vector<128x1xf32> to vector<128x128xf32>
    %sub3A_1069 = arith.subf %sub3A_1068, %slice3A_1067 : vector<128x128xf32>
    %slice3A_1070 = vector.extract_strided_slice %get3A_13 {offsets = [0, 3712], sizes = [1, 128], strides = [1, 1]} : vector<1x8192xf32> to vector<1x128xf32>
    %add3A_1071 = vector.broadcast %slice3A_1070 : vector<1x128xf32> to vector<128x128xf32>
    %add3A_1072 = arith.addf %sub3A_1069, %add3A_1071 : vector<128x128xf32>
    %lt3A_1073 = arith.cmpf olt, %add3A_1072, %min3A_1066 : vector<128x128xf32>
    %jit3A_1074 = arith.constant 3.712000e+03 : f32
    %broadcast_in_dim3A_1075 = vector.broadcast %jit3A_1074 : f32 to vector<128x128xf32>
    %select_n3A_1076 = arith.select %lt3A_1073, %broadcast_in_dim3A_1075, %select_n3A_1065 : vector<128x128xi1>, vector<128x128xf32>
    %min3A_1077 = arith.minimumf %min3A_1066, %add3A_1072 : vector<128x128xf32>
    %slice3A_1078 = vector.extract_strided_slice %slice3A_750 {offsets = [0, 3840], sizes = [128, 128], strides = [1, 1]} : vector<128x8192xf32> to vector<128x128xf32>
    %sub3A_1079 = vector.broadcast %slice3A_749 : vector<128x1xf32> to vector<128x128xf32>
    %sub3A_1080 = arith.subf %sub3A_1079, %slice3A_1078 : vector<128x128xf32>
    %slice3A_1081 = vector.extract_strided_slice %get3A_13 {offsets = [0, 3840], sizes = [1, 128], strides = [1, 1]} : vector<1x8192xf32> to vector<1x128xf32>
    %add3A_1082 = vector.broadcast %slice3A_1081 : vector<1x128xf32> to vector<128x128xf32>
    %add3A_1083 = arith.addf %sub3A_1080, %add3A_1082 : vector<128x128xf32>
    %lt3A_1084 = arith.cmpf olt, %add3A_1083, %min3A_1077 : vector<128x128xf32>
    %jit3A_1085 = arith.constant 3.840000e+03 : f32
    %broadcast_in_dim3A_1086 = vector.broadcast %jit3A_1085 : f32 to vector<128x128xf32>
    %select_n3A_1087 = arith.select %lt3A_1084, %broadcast_in_dim3A_1086, %select_n3A_1076 : vector<128x128xi1>, vector<128x128xf32>
    %min3A_1088 = arith.minimumf %min3A_1077, %add3A_1083 : vector<128x128xf32>
    %slice3A_1089 = vector.extract_strided_slice %slice3A_750 {offsets = [0, 3968], sizes = [128, 128], strides = [1, 1]} : vector<128x8192xf32> to vector<128x128xf32>
    %sub3A_1090 = vector.broadcast %slice3A_749 : vector<128x1xf32> to vector<128x128xf32>
    %sub3A_1091 = arith.subf %sub3A_1090, %slice3A_1089 : vector<128x128xf32>
    %slice3A_1092 = vector.extract_strided_slice %get3A_13 {offsets = [0, 3968], sizes = [1, 128], strides = [1, 1]} : vector<1x8192xf32> to vector<1x128xf32>
    %add3A_1093 = vector.broadcast %slice3A_1092 : vector<1x128xf32> to vector<128x128xf32>
    %add3A_1094 = arith.addf %sub3A_1091, %add3A_1093 : vector<128x128xf32>
    %lt3A_1095 = arith.cmpf olt, %add3A_1094, %min3A_1088 : vector<128x128xf32>
    %jit3A_1096 = arith.constant 3.968000e+03 : f32
    %broadcast_in_dim3A_1097 = vector.broadcast %jit3A_1096 : f32 to vector<128x128xf32>
    %select_n3A_1098 = arith.select %lt3A_1095, %broadcast_in_dim3A_1097, %select_n3A_1087 : vector<128x128xi1>, vector<128x128xf32>
    %min3A_1099 = arith.minimumf %min3A_1088, %add3A_1094 : vector<128x128xf32>
    %reduce_min3A_1100 = arith.constant dense<0x7F800000> : vector<128xf32>
    %reduce_min3A_1101 = vector.multi_reduction <minimumf>, %min3A_1099, %reduce_min3A_1100 [1] : vector<128x128xf32> to vector<128xf32>
    %broadcast_in_dim3A_1102 = vector.shape_cast %reduce_min3A_1101 : vector<128xf32> to vector<128x1xf32>
    %eq3A_1103 = vector.broadcast %broadcast_in_dim3A_1102 : vector<128x1xf32> to vector<128x128xf32>
    %eq3A_1104 = arith.cmpf oeq, %min3A_1099, %eq3A_1103 : vector<128x128xf32>
    %add3A_1105 = vector.broadcast %convert_element_type3A_14 : vector<1x128xf32> to vector<128x128xf32>
    %add3A_1106 = arith.addf %select_n3A_1098, %add3A_1105 : vector<128x128xf32>
    %jit3A_1107 = arith.constant 8.192000e+03 : f32
    %broadcast_in_dim3A_1108 = vector.broadcast %jit3A_1107 : f32 to vector<128x128xf32>
    %select_n3A_1109 = arith.select %eq3A_1104, %add3A_1106, %broadcast_in_dim3A_1108 : vector<128x128xi1>, vector<128x128xf32>
    %reduce_min3A_1110 = arith.constant dense<0x7F800000> : vector<128xf32>
    %reduce_min3A_1111 = vector.multi_reduction <minimumf>, %select_n3A_1109, %reduce_min3A_1110 [1] : vector<128x128xf32> to vector<128xf32>
    %slice3A_1112 = vector.extract_strided_slice %slice3A_750 {offsets = [0, 4096], sizes = [128, 128], strides = [1, 1]} : vector<128x8192xf32> to vector<128x128xf32>
    %sub3A_1113 = vector.broadcast %slice3A_749 : vector<128x1xf32> to vector<128x128xf32>
    %sub3A_1114 = arith.subf %sub3A_1113, %slice3A_1112 : vector<128x128xf32>
    %slice3A_1115 = vector.extract_strided_slice %get3A_13 {offsets = [0, 4096], sizes = [1, 128], strides = [1, 1]} : vector<1x8192xf32> to vector<1x128xf32>
    %add3A_1116 = vector.broadcast %slice3A_1115 : vector<1x128xf32> to vector<128x128xf32>
    %add3A_1117 = arith.addf %sub3A_1114, %add3A_1116 : vector<128x128xf32>
    %broadcast_in_dim3A_1118 = arith.constant 0.000000e+00 : f32
    %broadcast_in_dim3A_1119 = vector.broadcast %broadcast_in_dim3A_1118 : f32 to vector<128x128xf32>
    %slice3A_1120 = vector.extract_strided_slice %slice3A_750 {offsets = [0, 4224], sizes = [128, 128], strides = [1, 1]} : vector<128x8192xf32> to vector<128x128xf32>
    %sub3A_1121 = vector.broadcast %slice3A_749 : vector<128x1xf32> to vector<128x128xf32>
    %sub3A_1122 = arith.subf %sub3A_1121, %slice3A_1120 : vector<128x128xf32>
    %slice3A_1123 = vector.extract_strided_slice %get3A_13 {offsets = [0, 4224], sizes = [1, 128], strides = [1, 1]} : vector<1x8192xf32> to vector<1x128xf32>
    %add3A_1124 = vector.broadcast %slice3A_1123 : vector<1x128xf32> to vector<128x128xf32>
    %add3A_1125 = arith.addf %sub3A_1122, %add3A_1124 : vector<128x128xf32>
    %lt3A_1126 = arith.cmpf olt, %add3A_1125, %add3A_1117 : vector<128x128xf32>
    %jit3A_1127 = arith.constant 1.280000e+02 : f32
    %broadcast_in_dim3A_1128 = vector.broadcast %jit3A_1127 : f32 to vector<128x128xf32>
    %select_n3A_1129 = arith.select %lt3A_1126, %broadcast_in_dim3A_1128, %broadcast_in_dim3A_1119 : vector<128x128xi1>, vector<128x128xf32>
    %min3A_1130 = arith.minimumf %add3A_1117, %add3A_1125 : vector<128x128xf32>
    %slice3A_1131 = vector.extract_strided_slice %slice3A_750 {offsets = [0, 4352], sizes = [128, 128], strides = [1, 1]} : vector<128x8192xf32> to vector<128x128xf32>
    %sub3A_1132 = vector.broadcast %slice3A_749 : vector<128x1xf32> to vector<128x128xf32>
    %sub3A_1133 = arith.subf %sub3A_1132, %slice3A_1131 : vector<128x128xf32>
    %slice3A_1134 = vector.extract_strided_slice %get3A_13 {offsets = [0, 4352], sizes = [1, 128], strides = [1, 1]} : vector<1x8192xf32> to vector<1x128xf32>
    %add3A_1135 = vector.broadcast %slice3A_1134 : vector<1x128xf32> to vector<128x128xf32>
    %add3A_1136 = arith.addf %sub3A_1133, %add3A_1135 : vector<128x128xf32>
    %lt3A_1137 = arith.cmpf olt, %add3A_1136, %min3A_1130 : vector<128x128xf32>
    %jit3A_1138 = arith.constant 2.560000e+02 : f32
    %broadcast_in_dim3A_1139 = vector.broadcast %jit3A_1138 : f32 to vector<128x128xf32>
    %select_n3A_1140 = arith.select %lt3A_1137, %broadcast_in_dim3A_1139, %select_n3A_1129 : vector<128x128xi1>, vector<128x128xf32>
    %min3A_1141 = arith.minimumf %min3A_1130, %add3A_1136 : vector<128x128xf32>
    %slice3A_1142 = vector.extract_strided_slice %slice3A_750 {offsets = [0, 4480], sizes = [128, 128], strides = [1, 1]} : vector<128x8192xf32> to vector<128x128xf32>
    %sub3A_1143 = vector.broadcast %slice3A_749 : vector<128x1xf32> to vector<128x128xf32>
    %sub3A_1144 = arith.subf %sub3A_1143, %slice3A_1142 : vector<128x128xf32>
    %slice3A_1145 = vector.extract_strided_slice %get3A_13 {offsets = [0, 4480], sizes = [1, 128], strides = [1, 1]} : vector<1x8192xf32> to vector<1x128xf32>
    %add3A_1146 = vector.broadcast %slice3A_1145 : vector<1x128xf32> to vector<128x128xf32>
    %add3A_1147 = arith.addf %sub3A_1144, %add3A_1146 : vector<128x128xf32>
    %lt3A_1148 = arith.cmpf olt, %add3A_1147, %min3A_1141 : vector<128x128xf32>
    %jit3A_1149 = arith.constant 3.840000e+02 : f32
    %broadcast_in_dim3A_1150 = vector.broadcast %jit3A_1149 : f32 to vector<128x128xf32>
    %select_n3A_1151 = arith.select %lt3A_1148, %broadcast_in_dim3A_1150, %select_n3A_1140 : vector<128x128xi1>, vector<128x128xf32>
    %min3A_1152 = arith.minimumf %min3A_1141, %add3A_1147 : vector<128x128xf32>
    %slice3A_1153 = vector.extract_strided_slice %slice3A_750 {offsets = [0, 4608], sizes = [128, 128], strides = [1, 1]} : vector<128x8192xf32> to vector<128x128xf32>
    %sub3A_1154 = vector.broadcast %slice3A_749 : vector<128x1xf32> to vector<128x128xf32>
    %sub3A_1155 = arith.subf %sub3A_1154, %slice3A_1153 : vector<128x128xf32>
    %slice3A_1156 = vector.extract_strided_slice %get3A_13 {offsets = [0, 4608], sizes = [1, 128], strides = [1, 1]} : vector<1x8192xf32> to vector<1x128xf32>
    %add3A_1157 = vector.broadcast %slice3A_1156 : vector<1x128xf32> to vector<128x128xf32>
    %add3A_1158 = arith.addf %sub3A_1155, %add3A_1157 : vector<128x128xf32>
    %lt3A_1159 = arith.cmpf olt, %add3A_1158, %min3A_1152 : vector<128x128xf32>
    %jit3A_1160 = arith.constant 5.120000e+02 : f32
    %broadcast_in_dim3A_1161 = vector.broadcast %jit3A_1160 : f32 to vector<128x128xf32>
    %select_n3A_1162 = arith.select %lt3A_1159, %broadcast_in_dim3A_1161, %select_n3A_1151 : vector<128x128xi1>, vector<128x128xf32>
    %min3A_1163 = arith.minimumf %min3A_1152, %add3A_1158 : vector<128x128xf32>
    %slice3A_1164 = vector.extract_strided_slice %slice3A_750 {offsets = [0, 4736], sizes = [128, 128], strides = [1, 1]} : vector<128x8192xf32> to vector<128x128xf32>
    %sub3A_1165 = vector.broadcast %slice3A_749 : vector<128x1xf32> to vector<128x128xf32>
    %sub3A_1166 = arith.subf %sub3A_1165, %slice3A_1164 : vector<128x128xf32>
    %slice3A_1167 = vector.extract_strided_slice %get3A_13 {offsets = [0, 4736], sizes = [1, 128], strides = [1, 1]} : vector<1x8192xf32> to vector<1x128xf32>
    %add3A_1168 = vector.broadcast %slice3A_1167 : vector<1x128xf32> to vector<128x128xf32>
    %add3A_1169 = arith.addf %sub3A_1166, %add3A_1168 : vector<128x128xf32>
    %lt3A_1170 = arith.cmpf olt, %add3A_1169, %min3A_1163 : vector<128x128xf32>
    %jit3A_1171 = arith.constant 6.400000e+02 : f32
    %broadcast_in_dim3A_1172 = vector.broadcast %jit3A_1171 : f32 to vector<128x128xf32>
    %select_n3A_1173 = arith.select %lt3A_1170, %broadcast_in_dim3A_1172, %select_n3A_1162 : vector<128x128xi1>, vector<128x128xf32>
    %min3A_1174 = arith.minimumf %min3A_1163, %add3A_1169 : vector<128x128xf32>
    %slice3A_1175 = vector.extract_strided_slice %slice3A_750 {offsets = [0, 4864], sizes = [128, 128], strides = [1, 1]} : vector<128x8192xf32> to vector<128x128xf32>
    %sub3A_1176 = vector.broadcast %slice3A_749 : vector<128x1xf32> to vector<128x128xf32>
    %sub3A_1177 = arith.subf %sub3A_1176, %slice3A_1175 : vector<128x128xf32>
    %slice3A_1178 = vector.extract_strided_slice %get3A_13 {offsets = [0, 4864], sizes = [1, 128], strides = [1, 1]} : vector<1x8192xf32> to vector<1x128xf32>
    %add3A_1179 = vector.broadcast %slice3A_1178 : vector<1x128xf32> to vector<128x128xf32>
    %add3A_1180 = arith.addf %sub3A_1177, %add3A_1179 : vector<128x128xf32>
    %lt3A_1181 = arith.cmpf olt, %add3A_1180, %min3A_1174 : vector<128x128xf32>
    %jit3A_1182 = arith.constant 7.680000e+02 : f32
    %broadcast_in_dim3A_1183 = vector.broadcast %jit3A_1182 : f32 to vector<128x128xf32>
    %select_n3A_1184 = arith.select %lt3A_1181, %broadcast_in_dim3A_1183, %select_n3A_1173 : vector<128x128xi1>, vector<128x128xf32>
    %min3A_1185 = arith.minimumf %min3A_1174, %add3A_1180 : vector<128x128xf32>
    %slice3A_1186 = vector.extract_strided_slice %slice3A_750 {offsets = [0, 4992], sizes = [128, 128], strides = [1, 1]} : vector<128x8192xf32> to vector<128x128xf32>
    %sub3A_1187 = vector.broadcast %slice3A_749 : vector<128x1xf32> to vector<128x128xf32>
    %sub3A_1188 = arith.subf %sub3A_1187, %slice3A_1186 : vector<128x128xf32>
    %slice3A_1189 = vector.extract_strided_slice %get3A_13 {offsets = [0, 4992], sizes = [1, 128], strides = [1, 1]} : vector<1x8192xf32> to vector<1x128xf32>
    %add3A_1190 = vector.broadcast %slice3A_1189 : vector<1x128xf32> to vector<128x128xf32>
    %add3A_1191 = arith.addf %sub3A_1188, %add3A_1190 : vector<128x128xf32>
    %lt3A_1192 = arith.cmpf olt, %add3A_1191, %min3A_1185 : vector<128x128xf32>
    %jit3A_1193 = arith.constant 8.960000e+02 : f32
    %broadcast_in_dim3A_1194 = vector.broadcast %jit3A_1193 : f32 to vector<128x128xf32>
    %select_n3A_1195 = arith.select %lt3A_1192, %broadcast_in_dim3A_1194, %select_n3A_1184 : vector<128x128xi1>, vector<128x128xf32>
    %min3A_1196 = arith.minimumf %min3A_1185, %add3A_1191 : vector<128x128xf32>
    %slice3A_1197 = vector.extract_strided_slice %slice3A_750 {offsets = [0, 5120], sizes = [128, 128], strides = [1, 1]} : vector<128x8192xf32> to vector<128x128xf32>
    %sub3A_1198 = vector.broadcast %slice3A_749 : vector<128x1xf32> to vector<128x128xf32>
    %sub3A_1199 = arith.subf %sub3A_1198, %slice3A_1197 : vector<128x128xf32>
    %slice3A_1200 = vector.extract_strided_slice %get3A_13 {offsets = [0, 5120], sizes = [1, 128], strides = [1, 1]} : vector<1x8192xf32> to vector<1x128xf32>
    %add3A_1201 = vector.broadcast %slice3A_1200 : vector<1x128xf32> to vector<128x128xf32>
    %add3A_1202 = arith.addf %sub3A_1199, %add3A_1201 : vector<128x128xf32>
    %lt3A_1203 = arith.cmpf olt, %add3A_1202, %min3A_1196 : vector<128x128xf32>
    %jit3A_1204 = arith.constant 1.024000e+03 : f32
    %broadcast_in_dim3A_1205 = vector.broadcast %jit3A_1204 : f32 to vector<128x128xf32>
    %select_n3A_1206 = arith.select %lt3A_1203, %broadcast_in_dim3A_1205, %select_n3A_1195 : vector<128x128xi1>, vector<128x128xf32>
    %min3A_1207 = arith.minimumf %min3A_1196, %add3A_1202 : vector<128x128xf32>
    %slice3A_1208 = vector.extract_strided_slice %slice3A_750 {offsets = [0, 5248], sizes = [128, 128], strides = [1, 1]} : vector<128x8192xf32> to vector<128x128xf32>
    %sub3A_1209 = vector.broadcast %slice3A_749 : vector<128x1xf32> to vector<128x128xf32>
    %sub3A_1210 = arith.subf %sub3A_1209, %slice3A_1208 : vector<128x128xf32>
    %slice3A_1211 = vector.extract_strided_slice %get3A_13 {offsets = [0, 5248], sizes = [1, 128], strides = [1, 1]} : vector<1x8192xf32> to vector<1x128xf32>
    %add3A_1212 = vector.broadcast %slice3A_1211 : vector<1x128xf32> to vector<128x128xf32>
    %add3A_1213 = arith.addf %sub3A_1210, %add3A_1212 : vector<128x128xf32>
    %lt3A_1214 = arith.cmpf olt, %add3A_1213, %min3A_1207 : vector<128x128xf32>
    %jit3A_1215 = arith.constant 1.152000e+03 : f32
    %broadcast_in_dim3A_1216 = vector.broadcast %jit3A_1215 : f32 to vector<128x128xf32>
    %select_n3A_1217 = arith.select %lt3A_1214, %broadcast_in_dim3A_1216, %select_n3A_1206 : vector<128x128xi1>, vector<128x128xf32>
    %min3A_1218 = arith.minimumf %min3A_1207, %add3A_1213 : vector<128x128xf32>
    %slice3A_1219 = vector.extract_strided_slice %slice3A_750 {offsets = [0, 5376], sizes = [128, 128], strides = [1, 1]} : vector<128x8192xf32> to vector<128x128xf32>
    %sub3A_1220 = vector.broadcast %slice3A_749 : vector<128x1xf32> to vector<128x128xf32>
    %sub3A_1221 = arith.subf %sub3A_1220, %slice3A_1219 : vector<128x128xf32>
    %slice3A_1222 = vector.extract_strided_slice %get3A_13 {offsets = [0, 5376], sizes = [1, 128], strides = [1, 1]} : vector<1x8192xf32> to vector<1x128xf32>
    %add3A_1223 = vector.broadcast %slice3A_1222 : vector<1x128xf32> to vector<128x128xf32>
    %add3A_1224 = arith.addf %sub3A_1221, %add3A_1223 : vector<128x128xf32>
    %lt3A_1225 = arith.cmpf olt, %add3A_1224, %min3A_1218 : vector<128x128xf32>
    %jit3A_1226 = arith.constant 1.280000e+03 : f32
    %broadcast_in_dim3A_1227 = vector.broadcast %jit3A_1226 : f32 to vector<128x128xf32>
    %select_n3A_1228 = arith.select %lt3A_1225, %broadcast_in_dim3A_1227, %select_n3A_1217 : vector<128x128xi1>, vector<128x128xf32>
    %min3A_1229 = arith.minimumf %min3A_1218, %add3A_1224 : vector<128x128xf32>
    %slice3A_1230 = vector.extract_strided_slice %slice3A_750 {offsets = [0, 5504], sizes = [128, 128], strides = [1, 1]} : vector<128x8192xf32> to vector<128x128xf32>
    %sub3A_1231 = vector.broadcast %slice3A_749 : vector<128x1xf32> to vector<128x128xf32>
    %sub3A_1232 = arith.subf %sub3A_1231, %slice3A_1230 : vector<128x128xf32>
    %slice3A_1233 = vector.extract_strided_slice %get3A_13 {offsets = [0, 5504], sizes = [1, 128], strides = [1, 1]} : vector<1x8192xf32> to vector<1x128xf32>
    %add3A_1234 = vector.broadcast %slice3A_1233 : vector<1x128xf32> to vector<128x128xf32>
    %add3A_1235 = arith.addf %sub3A_1232, %add3A_1234 : vector<128x128xf32>
    %lt3A_1236 = arith.cmpf olt, %add3A_1235, %min3A_1229 : vector<128x128xf32>
    %jit3A_1237 = arith.constant 1.408000e+03 : f32
    %broadcast_in_dim3A_1238 = vector.broadcast %jit3A_1237 : f32 to vector<128x128xf32>
    %select_n3A_1239 = arith.select %lt3A_1236, %broadcast_in_dim3A_1238, %select_n3A_1228 : vector<128x128xi1>, vector<128x128xf32>
    %min3A_1240 = arith.minimumf %min3A_1229, %add3A_1235 : vector<128x128xf32>
    %slice3A_1241 = vector.extract_strided_slice %slice3A_750 {offsets = [0, 5632], sizes = [128, 128], strides = [1, 1]} : vector<128x8192xf32> to vector<128x128xf32>
    %sub3A_1242 = vector.broadcast %slice3A_749 : vector<128x1xf32> to vector<128x128xf32>
    %sub3A_1243 = arith.subf %sub3A_1242, %slice3A_1241 : vector<128x128xf32>
    %slice3A_1244 = vector.extract_strided_slice %get3A_13 {offsets = [0, 5632], sizes = [1, 128], strides = [1, 1]} : vector<1x8192xf32> to vector<1x128xf32>
    %add3A_1245 = vector.broadcast %slice3A_1244 : vector<1x128xf32> to vector<128x128xf32>
    %add3A_1246 = arith.addf %sub3A_1243, %add3A_1245 : vector<128x128xf32>
    %lt3A_1247 = arith.cmpf olt, %add3A_1246, %min3A_1240 : vector<128x128xf32>
    %jit3A_1248 = arith.constant 1.536000e+03 : f32
    %broadcast_in_dim3A_1249 = vector.broadcast %jit3A_1248 : f32 to vector<128x128xf32>
    %select_n3A_1250 = arith.select %lt3A_1247, %broadcast_in_dim3A_1249, %select_n3A_1239 : vector<128x128xi1>, vector<128x128xf32>
    %min3A_1251 = arith.minimumf %min3A_1240, %add3A_1246 : vector<128x128xf32>
    %slice3A_1252 = vector.extract_strided_slice %slice3A_750 {offsets = [0, 5760], sizes = [128, 128], strides = [1, 1]} : vector<128x8192xf32> to vector<128x128xf32>
    %sub3A_1253 = vector.broadcast %slice3A_749 : vector<128x1xf32> to vector<128x128xf32>
    %sub3A_1254 = arith.subf %sub3A_1253, %slice3A_1252 : vector<128x128xf32>
    %slice3A_1255 = vector.extract_strided_slice %get3A_13 {offsets = [0, 5760], sizes = [1, 128], strides = [1, 1]} : vector<1x8192xf32> to vector<1x128xf32>
    %add3A_1256 = vector.broadcast %slice3A_1255 : vector<1x128xf32> to vector<128x128xf32>
    %add3A_1257 = arith.addf %sub3A_1254, %add3A_1256 : vector<128x128xf32>
    %lt3A_1258 = arith.cmpf olt, %add3A_1257, %min3A_1251 : vector<128x128xf32>
    %jit3A_1259 = arith.constant 1.664000e+03 : f32
    %broadcast_in_dim3A_1260 = vector.broadcast %jit3A_1259 : f32 to vector<128x128xf32>
    %select_n3A_1261 = arith.select %lt3A_1258, %broadcast_in_dim3A_1260, %select_n3A_1250 : vector<128x128xi1>, vector<128x128xf32>
    %min3A_1262 = arith.minimumf %min3A_1251, %add3A_1257 : vector<128x128xf32>
    %slice3A_1263 = vector.extract_strided_slice %slice3A_750 {offsets = [0, 5888], sizes = [128, 128], strides = [1, 1]} : vector<128x8192xf32> to vector<128x128xf32>
    %sub3A_1264 = vector.broadcast %slice3A_749 : vector<128x1xf32> to vector<128x128xf32>
    %sub3A_1265 = arith.subf %sub3A_1264, %slice3A_1263 : vector<128x128xf32>
    %slice3A_1266 = vector.extract_strided_slice %get3A_13 {offsets = [0, 5888], sizes = [1, 128], strides = [1, 1]} : vector<1x8192xf32> to vector<1x128xf32>
    %add3A_1267 = vector.broadcast %slice3A_1266 : vector<1x128xf32> to vector<128x128xf32>
    %add3A_1268 = arith.addf %sub3A_1265, %add3A_1267 : vector<128x128xf32>
    %lt3A_1269 = arith.cmpf olt, %add3A_1268, %min3A_1262 : vector<128x128xf32>
    %jit3A_1270 = arith.constant 1.792000e+03 : f32
    %broadcast_in_dim3A_1271 = vector.broadcast %jit3A_1270 : f32 to vector<128x128xf32>
    %select_n3A_1272 = arith.select %lt3A_1269, %broadcast_in_dim3A_1271, %select_n3A_1261 : vector<128x128xi1>, vector<128x128xf32>
    %min3A_1273 = arith.minimumf %min3A_1262, %add3A_1268 : vector<128x128xf32>
    %slice3A_1274 = vector.extract_strided_slice %slice3A_750 {offsets = [0, 6016], sizes = [128, 128], strides = [1, 1]} : vector<128x8192xf32> to vector<128x128xf32>
    %sub3A_1275 = vector.broadcast %slice3A_749 : vector<128x1xf32> to vector<128x128xf32>
    %sub3A_1276 = arith.subf %sub3A_1275, %slice3A_1274 : vector<128x128xf32>
    %slice3A_1277 = vector.extract_strided_slice %get3A_13 {offsets = [0, 6016], sizes = [1, 128], strides = [1, 1]} : vector<1x8192xf32> to vector<1x128xf32>
    %add3A_1278 = vector.broadcast %slice3A_1277 : vector<1x128xf32> to vector<128x128xf32>
    %add3A_1279 = arith.addf %sub3A_1276, %add3A_1278 : vector<128x128xf32>
    %lt3A_1280 = arith.cmpf olt, %add3A_1279, %min3A_1273 : vector<128x128xf32>
    %jit3A_1281 = arith.constant 1.920000e+03 : f32
    %broadcast_in_dim3A_1282 = vector.broadcast %jit3A_1281 : f32 to vector<128x128xf32>
    %select_n3A_1283 = arith.select %lt3A_1280, %broadcast_in_dim3A_1282, %select_n3A_1272 : vector<128x128xi1>, vector<128x128xf32>
    %min3A_1284 = arith.minimumf %min3A_1273, %add3A_1279 : vector<128x128xf32>
    %slice3A_1285 = vector.extract_strided_slice %slice3A_750 {offsets = [0, 6144], sizes = [128, 128], strides = [1, 1]} : vector<128x8192xf32> to vector<128x128xf32>
    %sub3A_1286 = vector.broadcast %slice3A_749 : vector<128x1xf32> to vector<128x128xf32>
    %sub3A_1287 = arith.subf %sub3A_1286, %slice3A_1285 : vector<128x128xf32>
    %slice3A_1288 = vector.extract_strided_slice %get3A_13 {offsets = [0, 6144], sizes = [1, 128], strides = [1, 1]} : vector<1x8192xf32> to vector<1x128xf32>
    %add3A_1289 = vector.broadcast %slice3A_1288 : vector<1x128xf32> to vector<128x128xf32>
    %add3A_1290 = arith.addf %sub3A_1287, %add3A_1289 : vector<128x128xf32>
    %lt3A_1291 = arith.cmpf olt, %add3A_1290, %min3A_1284 : vector<128x128xf32>
    %jit3A_1292 = arith.constant 2.048000e+03 : f32
    %broadcast_in_dim3A_1293 = vector.broadcast %jit3A_1292 : f32 to vector<128x128xf32>
    %select_n3A_1294 = arith.select %lt3A_1291, %broadcast_in_dim3A_1293, %select_n3A_1283 : vector<128x128xi1>, vector<128x128xf32>
    %min3A_1295 = arith.minimumf %min3A_1284, %add3A_1290 : vector<128x128xf32>
    %slice3A_1296 = vector.extract_strided_slice %slice3A_750 {offsets = [0, 6272], sizes = [128, 128], strides = [1, 1]} : vector<128x8192xf32> to vector<128x128xf32>
    %sub3A_1297 = vector.broadcast %slice3A_749 : vector<128x1xf32> to vector<128x128xf32>
    %sub3A_1298 = arith.subf %sub3A_1297, %slice3A_1296 : vector<128x128xf32>
    %slice3A_1299 = vector.extract_strided_slice %get3A_13 {offsets = [0, 6272], sizes = [1, 128], strides = [1, 1]} : vector<1x8192xf32> to vector<1x128xf32>
    %add3A_1300 = vector.broadcast %slice3A_1299 : vector<1x128xf32> to vector<128x128xf32>
    %add3A_1301 = arith.addf %sub3A_1298, %add3A_1300 : vector<128x128xf32>
    %lt3A_1302 = arith.cmpf olt, %add3A_1301, %min3A_1295 : vector<128x128xf32>
    %jit3A_1303 = arith.constant 2.176000e+03 : f32
    %broadcast_in_dim3A_1304 = vector.broadcast %jit3A_1303 : f32 to vector<128x128xf32>
    %select_n3A_1305 = arith.select %lt3A_1302, %broadcast_in_dim3A_1304, %select_n3A_1294 : vector<128x128xi1>, vector<128x128xf32>
    %min3A_1306 = arith.minimumf %min3A_1295, %add3A_1301 : vector<128x128xf32>
    %slice3A_1307 = vector.extract_strided_slice %slice3A_750 {offsets = [0, 6400], sizes = [128, 128], strides = [1, 1]} : vector<128x8192xf32> to vector<128x128xf32>
    %sub3A_1308 = vector.broadcast %slice3A_749 : vector<128x1xf32> to vector<128x128xf32>
    %sub3A_1309 = arith.subf %sub3A_1308, %slice3A_1307 : vector<128x128xf32>
    %slice3A_1310 = vector.extract_strided_slice %get3A_13 {offsets = [0, 6400], sizes = [1, 128], strides = [1, 1]} : vector<1x8192xf32> to vector<1x128xf32>
    %add3A_1311 = vector.broadcast %slice3A_1310 : vector<1x128xf32> to vector<128x128xf32>
    %add3A_1312 = arith.addf %sub3A_1309, %add3A_1311 : vector<128x128xf32>
    %lt3A_1313 = arith.cmpf olt, %add3A_1312, %min3A_1306 : vector<128x128xf32>
    %jit3A_1314 = arith.constant 2.304000e+03 : f32
    %broadcast_in_dim3A_1315 = vector.broadcast %jit3A_1314 : f32 to vector<128x128xf32>
    %select_n3A_1316 = arith.select %lt3A_1313, %broadcast_in_dim3A_1315, %select_n3A_1305 : vector<128x128xi1>, vector<128x128xf32>
    %min3A_1317 = arith.minimumf %min3A_1306, %add3A_1312 : vector<128x128xf32>
    %slice3A_1318 = vector.extract_strided_slice %slice3A_750 {offsets = [0, 6528], sizes = [128, 128], strides = [1, 1]} : vector<128x8192xf32> to vector<128x128xf32>
    %sub3A_1319 = vector.broadcast %slice3A_749 : vector<128x1xf32> to vector<128x128xf32>
    %sub3A_1320 = arith.subf %sub3A_1319, %slice3A_1318 : vector<128x128xf32>
    %slice3A_1321 = vector.extract_strided_slice %get3A_13 {offsets = [0, 6528], sizes = [1, 128], strides = [1, 1]} : vector<1x8192xf32> to vector<1x128xf32>
    %add3A_1322 = vector.broadcast %slice3A_1321 : vector<1x128xf32> to vector<128x128xf32>
    %add3A_1323 = arith.addf %sub3A_1320, %add3A_1322 : vector<128x128xf32>
    %lt3A_1324 = arith.cmpf olt, %add3A_1323, %min3A_1317 : vector<128x128xf32>
    %jit3A_1325 = arith.constant 2.432000e+03 : f32
    %broadcast_in_dim3A_1326 = vector.broadcast %jit3A_1325 : f32 to vector<128x128xf32>
    %select_n3A_1327 = arith.select %lt3A_1324, %broadcast_in_dim3A_1326, %select_n3A_1316 : vector<128x128xi1>, vector<128x128xf32>
    %min3A_1328 = arith.minimumf %min3A_1317, %add3A_1323 : vector<128x128xf32>
    %slice3A_1329 = vector.extract_strided_slice %slice3A_750 {offsets = [0, 6656], sizes = [128, 128], strides = [1, 1]} : vector<128x8192xf32> to vector<128x128xf32>
    %sub3A_1330 = vector.broadcast %slice3A_749 : vector<128x1xf32> to vector<128x128xf32>
    %sub3A_1331 = arith.subf %sub3A_1330, %slice3A_1329 : vector<128x128xf32>
    %slice3A_1332 = vector.extract_strided_slice %get3A_13 {offsets = [0, 6656], sizes = [1, 128], strides = [1, 1]} : vector<1x8192xf32> to vector<1x128xf32>
    %add3A_1333 = vector.broadcast %slice3A_1332 : vector<1x128xf32> to vector<128x128xf32>
    %add3A_1334 = arith.addf %sub3A_1331, %add3A_1333 : vector<128x128xf32>
    %lt3A_1335 = arith.cmpf olt, %add3A_1334, %min3A_1328 : vector<128x128xf32>
    %jit3A_1336 = arith.constant 2.560000e+03 : f32
    %broadcast_in_dim3A_1337 = vector.broadcast %jit3A_1336 : f32 to vector<128x128xf32>
    %select_n3A_1338 = arith.select %lt3A_1335, %broadcast_in_dim3A_1337, %select_n3A_1327 : vector<128x128xi1>, vector<128x128xf32>
    %min3A_1339 = arith.minimumf %min3A_1328, %add3A_1334 : vector<128x128xf32>
    %slice3A_1340 = vector.extract_strided_slice %slice3A_750 {offsets = [0, 6784], sizes = [128, 128], strides = [1, 1]} : vector<128x8192xf32> to vector<128x128xf32>
    %sub3A_1341 = vector.broadcast %slice3A_749 : vector<128x1xf32> to vector<128x128xf32>
    %sub3A_1342 = arith.subf %sub3A_1341, %slice3A_1340 : vector<128x128xf32>
    %slice3A_1343 = vector.extract_strided_slice %get3A_13 {offsets = [0, 6784], sizes = [1, 128], strides = [1, 1]} : vector<1x8192xf32> to vector<1x128xf32>
    %add3A_1344 = vector.broadcast %slice3A_1343 : vector<1x128xf32> to vector<128x128xf32>
    %add3A_1345 = arith.addf %sub3A_1342, %add3A_1344 : vector<128x128xf32>
    %lt3A_1346 = arith.cmpf olt, %add3A_1345, %min3A_1339 : vector<128x128xf32>
    %jit3A_1347 = arith.constant 2.688000e+03 : f32
    %broadcast_in_dim3A_1348 = vector.broadcast %jit3A_1347 : f32 to vector<128x128xf32>
    %select_n3A_1349 = arith.select %lt3A_1346, %broadcast_in_dim3A_1348, %select_n3A_1338 : vector<128x128xi1>, vector<128x128xf32>
    %min3A_1350 = arith.minimumf %min3A_1339, %add3A_1345 : vector<128x128xf32>
    %slice3A_1351 = vector.extract_strided_slice %slice3A_750 {offsets = [0, 6912], sizes = [128, 128], strides = [1, 1]} : vector<128x8192xf32> to vector<128x128xf32>
    %sub3A_1352 = vector.broadcast %slice3A_749 : vector<128x1xf32> to vector<128x128xf32>
    %sub3A_1353 = arith.subf %sub3A_1352, %slice3A_1351 : vector<128x128xf32>
    %slice3A_1354 = vector.extract_strided_slice %get3A_13 {offsets = [0, 6912], sizes = [1, 128], strides = [1, 1]} : vector<1x8192xf32> to vector<1x128xf32>
    %add3A_1355 = vector.broadcast %slice3A_1354 : vector<1x128xf32> to vector<128x128xf32>
    %add3A_1356 = arith.addf %sub3A_1353, %add3A_1355 : vector<128x128xf32>
    %lt3A_1357 = arith.cmpf olt, %add3A_1356, %min3A_1350 : vector<128x128xf32>
    %jit3A_1358 = arith.constant 2.816000e+03 : f32
    %broadcast_in_dim3A_1359 = vector.broadcast %jit3A_1358 : f32 to vector<128x128xf32>
    %select_n3A_1360 = arith.select %lt3A_1357, %broadcast_in_dim3A_1359, %select_n3A_1349 : vector<128x128xi1>, vector<128x128xf32>
    %min3A_1361 = arith.minimumf %min3A_1350, %add3A_1356 : vector<128x128xf32>
    %slice3A_1362 = vector.extract_strided_slice %slice3A_750 {offsets = [0, 7040], sizes = [128, 128], strides = [1, 1]} : vector<128x8192xf32> to vector<128x128xf32>
    %sub3A_1363 = vector.broadcast %slice3A_749 : vector<128x1xf32> to vector<128x128xf32>
    %sub3A_1364 = arith.subf %sub3A_1363, %slice3A_1362 : vector<128x128xf32>
    %slice3A_1365 = vector.extract_strided_slice %get3A_13 {offsets = [0, 7040], sizes = [1, 128], strides = [1, 1]} : vector<1x8192xf32> to vector<1x128xf32>
    %add3A_1366 = vector.broadcast %slice3A_1365 : vector<1x128xf32> to vector<128x128xf32>
    %add3A_1367 = arith.addf %sub3A_1364, %add3A_1366 : vector<128x128xf32>
    %lt3A_1368 = arith.cmpf olt, %add3A_1367, %min3A_1361 : vector<128x128xf32>
    %jit3A_1369 = arith.constant 2.944000e+03 : f32
    %broadcast_in_dim3A_1370 = vector.broadcast %jit3A_1369 : f32 to vector<128x128xf32>
    %select_n3A_1371 = arith.select %lt3A_1368, %broadcast_in_dim3A_1370, %select_n3A_1360 : vector<128x128xi1>, vector<128x128xf32>
    %min3A_1372 = arith.minimumf %min3A_1361, %add3A_1367 : vector<128x128xf32>
    %slice3A_1373 = vector.extract_strided_slice %slice3A_750 {offsets = [0, 7168], sizes = [128, 128], strides = [1, 1]} : vector<128x8192xf32> to vector<128x128xf32>
    %sub3A_1374 = vector.broadcast %slice3A_749 : vector<128x1xf32> to vector<128x128xf32>
    %sub3A_1375 = arith.subf %sub3A_1374, %slice3A_1373 : vector<128x128xf32>
    %slice3A_1376 = vector.extract_strided_slice %get3A_13 {offsets = [0, 7168], sizes = [1, 128], strides = [1, 1]} : vector<1x8192xf32> to vector<1x128xf32>
    %add3A_1377 = vector.broadcast %slice3A_1376 : vector<1x128xf32> to vector<128x128xf32>
    %add3A_1378 = arith.addf %sub3A_1375, %add3A_1377 : vector<128x128xf32>
    %lt3A_1379 = arith.cmpf olt, %add3A_1378, %min3A_1372 : vector<128x128xf32>
    %jit3A_1380 = arith.constant 3.072000e+03 : f32
    %broadcast_in_dim3A_1381 = vector.broadcast %jit3A_1380 : f32 to vector<128x128xf32>
    %select_n3A_1382 = arith.select %lt3A_1379, %broadcast_in_dim3A_1381, %select_n3A_1371 : vector<128x128xi1>, vector<128x128xf32>
    %min3A_1383 = arith.minimumf %min3A_1372, %add3A_1378 : vector<128x128xf32>
    %slice3A_1384 = vector.extract_strided_slice %slice3A_750 {offsets = [0, 7296], sizes = [128, 128], strides = [1, 1]} : vector<128x8192xf32> to vector<128x128xf32>
    %sub3A_1385 = vector.broadcast %slice3A_749 : vector<128x1xf32> to vector<128x128xf32>
    %sub3A_1386 = arith.subf %sub3A_1385, %slice3A_1384 : vector<128x128xf32>
    %slice3A_1387 = vector.extract_strided_slice %get3A_13 {offsets = [0, 7296], sizes = [1, 128], strides = [1, 1]} : vector<1x8192xf32> to vector<1x128xf32>
    %add3A_1388 = vector.broadcast %slice3A_1387 : vector<1x128xf32> to vector<128x128xf32>
    %add3A_1389 = arith.addf %sub3A_1386, %add3A_1388 : vector<128x128xf32>
    %lt3A_1390 = arith.cmpf olt, %add3A_1389, %min3A_1383 : vector<128x128xf32>
    %jit3A_1391 = arith.constant 3.200000e+03 : f32
    %broadcast_in_dim3A_1392 = vector.broadcast %jit3A_1391 : f32 to vector<128x128xf32>
    %select_n3A_1393 = arith.select %lt3A_1390, %broadcast_in_dim3A_1392, %select_n3A_1382 : vector<128x128xi1>, vector<128x128xf32>
    %min3A_1394 = arith.minimumf %min3A_1383, %add3A_1389 : vector<128x128xf32>
    %slice3A_1395 = vector.extract_strided_slice %slice3A_750 {offsets = [0, 7424], sizes = [128, 128], strides = [1, 1]} : vector<128x8192xf32> to vector<128x128xf32>
    %sub3A_1396 = vector.broadcast %slice3A_749 : vector<128x1xf32> to vector<128x128xf32>
    %sub3A_1397 = arith.subf %sub3A_1396, %slice3A_1395 : vector<128x128xf32>
    %slice3A_1398 = vector.extract_strided_slice %get3A_13 {offsets = [0, 7424], sizes = [1, 128], strides = [1, 1]} : vector<1x8192xf32> to vector<1x128xf32>
    %add3A_1399 = vector.broadcast %slice3A_1398 : vector<1x128xf32> to vector<128x128xf32>
    %add3A_1400 = arith.addf %sub3A_1397, %add3A_1399 : vector<128x128xf32>
    %lt3A_1401 = arith.cmpf olt, %add3A_1400, %min3A_1394 : vector<128x128xf32>
    %jit3A_1402 = arith.constant 3.328000e+03 : f32
    %broadcast_in_dim3A_1403 = vector.broadcast %jit3A_1402 : f32 to vector<128x128xf32>
    %select_n3A_1404 = arith.select %lt3A_1401, %broadcast_in_dim3A_1403, %select_n3A_1393 : vector<128x128xi1>, vector<128x128xf32>
    %min3A_1405 = arith.minimumf %min3A_1394, %add3A_1400 : vector<128x128xf32>
    %slice3A_1406 = vector.extract_strided_slice %slice3A_750 {offsets = [0, 7552], sizes = [128, 128], strides = [1, 1]} : vector<128x8192xf32> to vector<128x128xf32>
    %sub3A_1407 = vector.broadcast %slice3A_749 : vector<128x1xf32> to vector<128x128xf32>
    %sub3A_1408 = arith.subf %sub3A_1407, %slice3A_1406 : vector<128x128xf32>
    %slice3A_1409 = vector.extract_strided_slice %get3A_13 {offsets = [0, 7552], sizes = [1, 128], strides = [1, 1]} : vector<1x8192xf32> to vector<1x128xf32>
    %add3A_1410 = vector.broadcast %slice3A_1409 : vector<1x128xf32> to vector<128x128xf32>
    %add3A_1411 = arith.addf %sub3A_1408, %add3A_1410 : vector<128x128xf32>
    %lt3A_1412 = arith.cmpf olt, %add3A_1411, %min3A_1405 : vector<128x128xf32>
    %jit3A_1413 = arith.constant 3.456000e+03 : f32
    %broadcast_in_dim3A_1414 = vector.broadcast %jit3A_1413 : f32 to vector<128x128xf32>
    %select_n3A_1415 = arith.select %lt3A_1412, %broadcast_in_dim3A_1414, %select_n3A_1404 : vector<128x128xi1>, vector<128x128xf32>
    %min3A_1416 = arith.minimumf %min3A_1405, %add3A_1411 : vector<128x128xf32>
    %slice3A_1417 = vector.extract_strided_slice %slice3A_750 {offsets = [0, 7680], sizes = [128, 128], strides = [1, 1]} : vector<128x8192xf32> to vector<128x128xf32>
    %sub3A_1418 = vector.broadcast %slice3A_749 : vector<128x1xf32> to vector<128x128xf32>
    %sub3A_1419 = arith.subf %sub3A_1418, %slice3A_1417 : vector<128x128xf32>
    %slice3A_1420 = vector.extract_strided_slice %get3A_13 {offsets = [0, 7680], sizes = [1, 128], strides = [1, 1]} : vector<1x8192xf32> to vector<1x128xf32>
    %add3A_1421 = vector.broadcast %slice3A_1420 : vector<1x128xf32> to vector<128x128xf32>
    %add3A_1422 = arith.addf %sub3A_1419, %add3A_1421 : vector<128x128xf32>
    %lt3A_1423 = arith.cmpf olt, %add3A_1422, %min3A_1416 : vector<128x128xf32>
    %jit3A_1424 = arith.constant 3.584000e+03 : f32
    %broadcast_in_dim3A_1425 = vector.broadcast %jit3A_1424 : f32 to vector<128x128xf32>
    %select_n3A_1426 = arith.select %lt3A_1423, %broadcast_in_dim3A_1425, %select_n3A_1415 : vector<128x128xi1>, vector<128x128xf32>
    %min3A_1427 = arith.minimumf %min3A_1416, %add3A_1422 : vector<128x128xf32>
    %slice3A_1428 = vector.extract_strided_slice %slice3A_750 {offsets = [0, 7808], sizes = [128, 128], strides = [1, 1]} : vector<128x8192xf32> to vector<128x128xf32>
    %sub3A_1429 = vector.broadcast %slice3A_749 : vector<128x1xf32> to vector<128x128xf32>
    %sub3A_1430 = arith.subf %sub3A_1429, %slice3A_1428 : vector<128x128xf32>
    %slice3A_1431 = vector.extract_strided_slice %get3A_13 {offsets = [0, 7808], sizes = [1, 128], strides = [1, 1]} : vector<1x8192xf32> to vector<1x128xf32>
    %add3A_1432 = vector.broadcast %slice3A_1431 : vector<1x128xf32> to vector<128x128xf32>
    %add3A_1433 = arith.addf %sub3A_1430, %add3A_1432 : vector<128x128xf32>
    %lt3A_1434 = arith.cmpf olt, %add3A_1433, %min3A_1427 : vector<128x128xf32>
    %jit3A_1435 = arith.constant 3.712000e+03 : f32
    %broadcast_in_dim3A_1436 = vector.broadcast %jit3A_1435 : f32 to vector<128x128xf32>
    %select_n3A_1437 = arith.select %lt3A_1434, %broadcast_in_dim3A_1436, %select_n3A_1426 : vector<128x128xi1>, vector<128x128xf32>
    %min3A_1438 = arith.minimumf %min3A_1427, %add3A_1433 : vector<128x128xf32>
    %slice3A_1439 = vector.extract_strided_slice %slice3A_750 {offsets = [0, 7936], sizes = [128, 128], strides = [1, 1]} : vector<128x8192xf32> to vector<128x128xf32>
    %sub3A_1440 = vector.broadcast %slice3A_749 : vector<128x1xf32> to vector<128x128xf32>
    %sub3A_1441 = arith.subf %sub3A_1440, %slice3A_1439 : vector<128x128xf32>
    %slice3A_1442 = vector.extract_strided_slice %get3A_13 {offsets = [0, 7936], sizes = [1, 128], strides = [1, 1]} : vector<1x8192xf32> to vector<1x128xf32>
    %add3A_1443 = vector.broadcast %slice3A_1442 : vector<1x128xf32> to vector<128x128xf32>
    %add3A_1444 = arith.addf %sub3A_1441, %add3A_1443 : vector<128x128xf32>
    %lt3A_1445 = arith.cmpf olt, %add3A_1444, %min3A_1438 : vector<128x128xf32>
    %jit3A_1446 = arith.constant 3.840000e+03 : f32
    %broadcast_in_dim3A_1447 = vector.broadcast %jit3A_1446 : f32 to vector<128x128xf32>
    %select_n3A_1448 = arith.select %lt3A_1445, %broadcast_in_dim3A_1447, %select_n3A_1437 : vector<128x128xi1>, vector<128x128xf32>
    %min3A_1449 = arith.minimumf %min3A_1438, %add3A_1444 : vector<128x128xf32>
    %slice3A_1450 = vector.extract_strided_slice %slice3A_750 {offsets = [0, 8064], sizes = [128, 128], strides = [1, 1]} : vector<128x8192xf32> to vector<128x128xf32>
    %sub3A_1451 = vector.broadcast %slice3A_749 : vector<128x1xf32> to vector<128x128xf32>
    %sub3A_1452 = arith.subf %sub3A_1451, %slice3A_1450 : vector<128x128xf32>
    %slice3A_1453 = vector.extract_strided_slice %get3A_13 {offsets = [0, 8064], sizes = [1, 128], strides = [1, 1]} : vector<1x8192xf32> to vector<1x128xf32>
    %add3A_1454 = vector.broadcast %slice3A_1453 : vector<1x128xf32> to vector<128x128xf32>
    %add3A_1455 = arith.addf %sub3A_1452, %add3A_1454 : vector<128x128xf32>
    %lt3A_1456 = arith.cmpf olt, %add3A_1455, %min3A_1449 : vector<128x128xf32>
    %jit3A_1457 = arith.constant 3.968000e+03 : f32
    %broadcast_in_dim3A_1458 = vector.broadcast %jit3A_1457 : f32 to vector<128x128xf32>
    %select_n3A_1459 = arith.select %lt3A_1456, %broadcast_in_dim3A_1458, %select_n3A_1448 : vector<128x128xi1>, vector<128x128xf32>
    %min3A_1460 = arith.minimumf %min3A_1449, %add3A_1455 : vector<128x128xf32>
    %reduce_min3A_1461 = arith.constant dense<0x7F800000> : vector<128xf32>
    %reduce_min3A_1462 = vector.multi_reduction <minimumf>, %min3A_1460, %reduce_min3A_1461 [1] : vector<128x128xf32> to vector<128xf32>
    %broadcast_in_dim3A_1463 = vector.shape_cast %reduce_min3A_1462 : vector<128xf32> to vector<128x1xf32>
    %eq3A_1464 = vector.broadcast %broadcast_in_dim3A_1463 : vector<128x1xf32> to vector<128x128xf32>
    %eq3A_1465 = arith.cmpf oeq, %min3A_1460, %eq3A_1464 : vector<128x128xf32>
    %add3A_1466 = vector.broadcast %convert_element_type3A_14 : vector<1x128xf32> to vector<128x128xf32>
    %add3A_1467 = arith.addf %select_n3A_1459, %add3A_1466 : vector<128x128xf32>
    %jit3A_1468 = arith.constant 8.192000e+03 : f32
    %broadcast_in_dim3A_1469 = vector.broadcast %jit3A_1468 : f32 to vector<128x128xf32>
    %select_n3A_1470 = arith.select %eq3A_1465, %add3A_1467, %broadcast_in_dim3A_1469 : vector<128x128xi1>, vector<128x128xf32>
    %reduce_min3A_1471 = arith.constant dense<0x7F800000> : vector<128xf32>
    %reduce_min3A_1472 = vector.multi_reduction <minimumf>, %select_n3A_1470, %reduce_min3A_1471 [1] : vector<128x128xf32> to vector<128xf32>
    %convert_element_type3A_1473 = arith.fptosi %reduce_min3A_1111 : vector<128xf32> to vector<128xi32>
    %convert_element_type3A_1474 = arith.fptosi %reduce_min3A_1472 : vector<128xf32> to vector<128xi32>
    %add3A_1475 = arith.constant 4096 : i32
    %add3A_1476 = vector.broadcast %add3A_1475 : i32 to vector<128xi32>
    %add3A_1477 = arith.addi %convert_element_type3A_1474, %add3A_1476 : vector<128xi32>
    %convert_element_type3A_1478 = arith.truncf %broadcast_in_dim3A_1102 : vector<128x1xf32> to vector<128x1xbf16>
    %convert_element_type3A_1479 = arith.extf %convert_element_type3A_1478 : vector<128x1xbf16> to vector<128x1xf32>
    %lt3A_1480 = arith.cmpf olt, %broadcast_in_dim3A_1463, %convert_element_type3A_1479 : vector<128x1xf32>
    %squeeze3A_1481 = vector.shape_cast %lt3A_1480 : vector<128x1xi1> to vector<128xi1>
    %select_n3A_1482 = arith.select %squeeze3A_1481, %add3A_1477, %convert_element_type3A_1473 : vector<128xi1>, vector<128xi32>
    %swap3A_1483 = arith.constant 128 : index
    %swap3A_1484 = vector.load %arg5[%swap3A_1483] : memref<256xi32, #tpu.memory_space<vmem>>, vector<128xi32>
    tpu.vector_store %arg5[%swap3A_1483], %select_n3A_1482 {strides = array<i32>} : memref<256xi32, #tpu.memory_space<vmem>>, vector<128xi32>,
    %select_n3A_1485 = arith.select %lt3A_1480, %broadcast_in_dim3A_1463, %broadcast_in_dim3A_1102 : vector<128x1xi1>, vector<128x1xf32>
    %reduce_sum3A_1486 = vector.shape_cast %select_n3A_1485 : vector<128x1xf32> to vector<1x128x1xf32>
    %reduce_sum3A_1487 = arith.constant dense<0.000000e+00> : vector<1xf32>
    %reduce_sum3A_1488 = vector.multi_reduction <add>, %reduce_sum3A_1486, %reduce_sum3A_1487 [1, 2] : vector<1x128x1xf32> to vector<1xf32>
    %reduce_sum3A_1489 = vector.shape_cast %reduce_sum3A_1488 : vector<1xf32> to vector<1x1x1xf32>
    %reduce_sum3A_1490 = vector.extract %reduce_sum3A_1489[0, 0, 0] : f32 from vector<1x1x1xf32>
    %reshape3A_1491 = vector.broadcast %reduce_sum3A_1490 : f32 to vector<1x1xf32>
    %add3A_1492 = arith.addf %add3A_748, %reshape3A_1491 : vector<1x1xf32>
    %get3A_1493 = arith.constant 0 : index
    %get3A_1494 = arith.constant 0 : index
    %get3A_1495 = vector.load %arg6[%get3A_1493, %get3A_1494] : memref<1x1xf32, #tpu.memory_space<vmem>>, vector<1x1xf32>
    %add3A_1496 = arith.addf %get3A_1495, %add3A_1492 : vector<1x1xf32>
    %swap3A_1497 = arith.constant 0 : index
    %swap3A_1498 = arith.constant 0 : index
    %swap3A_1499 = vector.load %arg6[%swap3A_1497, %swap3A_1498] : memref<1x1xf32, #tpu.memory_space<vmem>>, vector<1x1xf32>
    tpu.vector_store %arg6[%swap3A_1497, %swap3A_1498], %add3A_1496 {strides = array<i32>} : memref<1x1xf32, #tpu.memory_space<vmem>>, vector<1x1xf32>,
    %eq3A_1500 = arith.constant 63 : i32
    %eq3A_1501 = arith.cmpi eq, %arg0, %eq3A_1500 : i32
    %convert_element_type3A_1502 = arith.extui %eq3A_1501 : i1 to i32
    %cond3A_1503 = arith.constant 0 : i32
    %cond3A_1504 = arith.cmpi ne, %convert_element_type3A_1502, %cond3A_1503 : i32
    scf.if %cond3A_1504 {
      %get3A_1505 = arith.constant 0 : index
      %get3A_1506 = arith.constant 0 : index
      %get3A_1507 = vector.load %arg6[%get3A_1505, %get3A_1506] : memref<1x1xf32, #tpu.memory_space<vmem>>, vector<1x1xf32>
      %mul3A = arith.constant 2.38418579E-5 : f32
      %mul3A_1508 = vector.broadcast %mul3A : f32 to vector<1x1xf32>
      %mul3A_1509 = arith.mulf %get3A_1507, %mul3A_1508 : vector<1x1xf32>
      %swap3A_1510 = arith.constant 0 : index
      %swap3A_1511 = arith.constant 0 : index
      %swap3A_1512 = vector.load %arg6[%swap3A_1510, %swap3A_1511] : memref<1x1xf32, #tpu.memory_space<vmem>>, vector<1x1xf32>
      tpu.vector_store %arg6[%swap3A_1510, %swap3A_1511], %mul3A_1509 {strides = array<i32>} : memref<1x1xf32, #tpu.memory_space<vmem>>, vector<1x1xf32>,
    } else {
    }
    return
  }
  func.func @transform_0(%arg0: i32) -> (i32, i32) {
    %c0_i32 = arith.constant 0 : i32
    %c0_i32_0 = arith.constant 0 : i32
    return %arg0, %c0_i32 : i32, i32
  }
  func.func @transform_1(%arg0: i32) -> (i32, i32) {
    %c0_i32 = arith.constant 0 : i32
    %c0_i32_0 = arith.constant 0 : i32
    %c0_i32_1 = arith.constant 0 : i32
    return %c0_i32, %c0_i32_0 : i32, i32
  }
  func.func @transform_2(%arg0: i32) -> (i32, i32) {
    %c0_i32 = arith.constant 0 : i32
    %c0_i32_0 = arith.constant 0 : i32
    return %arg0, %c0_i32 : i32, i32
  }
  func.func @transform_3(%arg0: i32) -> (i32, i32) {
    %c0_i32 = arith.constant 0 : i32
    %c0_i32_0 = arith.constant 0 : i32
    %c0_i32_1 = arith.constant 0 : i32
    return %c0_i32, %c0_i32_0 : i32, i32
  }
  func.func @transform_4(%arg0: i32) -> i32 {
    %c0_i32 = arith.constant 0 : i32
    return %arg0 : i32
  }
  func.func @transform_5(%arg0: i32) -> (i32, i32) {
    %c0_i32 = arith.constant 0 : i32
    %c0_i32_0 = arith.constant 0 : i32
    %c0_i32_1 = arith.constant 0 : i32
    return %c0_i32, %c0_i32_0 : i32, i32
  }
}

</mosaic_0001>

<sc_bundles>
// kernel: kernel.4.cloned.1.call-start
scs
__scs_entry_jumppad:
0x0: {  	(pc) =	sbr.rel $0x88, $3  }
0x1: {  	(tag) =	ssettag $0x0;
	lr =	simm.s32 $0x1  }
0x2: {  	[smem:$0x3F9F] =	sst lr;
	_ =	strace $0xD0000000  }
0x3: {  	_ = 	snop  }
0x4: {  	_ = 	snop  }
0x5: {  	_ = 	snop  }
0x6: {  	_ = 	snop  }
0x7: {  	_ = 	snop  }
__scs_overlays_trampoline_lowered:
0x8: {  	[smem:$0x3FAE] =	sst s0  }
0x9: {  	[smem:$0x3FAF] =	sst s1  }
0xa: {  	[smem:$0x3FB0] =	sst s2  }
0xb: {  	[smem:$0x3FB1] =	sst s3  }
0xc: {  	[smem:$0x3FB2] =	sst s4  }
0xd: {  	[smem:$0x3FB3] =	sst s5  }
0xe: {  	[smem:$0x3FB4] =	sst s6  }
0xf: {  	[smem:$0x3FB5] =	sst s7  }
0x10: {  	[smem:$0x3FB6] =	sst s8  }
0x11: {  	[smem:$0x3FB7] =	sst s9;
	s0 =	simm.s32 @!p0 $0x0  }
0x12: {  	s1 =	sld [smem:$0x3F9D];
	s0 =	simm.s32 @p0 $0x1  }
0x13: {  	[smem:$0x3FB8] =	sst s0;
	s0 =	simm.s32 @!p1 $0x0  }
0x14: {  	s2 =	sld [smem:$0x3F9C];
	s0 =	simm.s32 @p1 $0x1  }
0x15: {  	[smem:$0x3FB9] =	sst s0;
	s0 =	simm.s32 @!p2 $0x0  }
0x16: {  	s3 =	sld [smem:$0x3FDB];
	s0 =	simm.s32 @p2 $0x1  }
0x17: {  	s4 =	simm.s32 $0x1BF5;
	[smem:$0x3FBB] =	sst s0  }
0x18: {  	s0 =	sld [smem:$0x3F9E];
	_ =	swait.ge [sflag:s4], $0x0  }
0x19: {  	s7 =	sld [smem:$0x3F9F]  }
0x1a: {  	s8 =	sadd.s32 $0xFFFFE003, lr  }
0x1b: {  	s9 =	sadd.s32 $0xFFFFFEF7, lr;
	s5 =	simm.s32 $0xFFFFFFFF;
	p2 =	slt.u32 s8, $0xFFFFF086  }
0x1c: {  	p1 =	slt.u32 s9, $0xF7A;
	s5 =	simm.s32 @!p2 $0x0  }
0x1d: {  	s5 =	simm.s32 @p1 $0x1;
	p0 =	seq.s32 s7, s2  }
0x1e: {  	s7 =	smul.u32 @!p0 $0xF7A, s2;
	p2 =	seq.s32 @!p0 s5, $0x0  }
0x1f: {  	s9 =	smul.u32 $0xF7A, s1;
	s8 =	simm.s32 @!p0 $0x1BF5;
	p2 =	por !p2, p0  }
0x20: {  	[sflag:s8] =	ssyncset.s32 @!p0 $0xFFFFF086;
	s6 =	sadd.s32 @!p0 s3, s7;
	s7 =	simm.s32 @!p0 $0x108  }
0x21: {  	s3 =	sadd.s32 s3, s9;
	s6 =	sadd.s32 @!p0 $0x88, s6;
	s7 =	simm.s32 @p2 $0x1082  }
0x22: {  	[simem:s7], [sflag:s8] =	dma.local @!p0 [hbm:s6], $0xF7A  }
0x23: {  	s9 =	sor.u32 $0xD0000000, s2;
	s6 =	simm.s32 $0x108;
	_ =	swait.ge @!p0 [sflag:s8], $0x0  }
0x24: {  	s3 =	sadd.s32 $0x88, s3;
	s6 =	simm.s32 @!p1 $0x1082;
	[sflag:s4] =	ssyncset.s32 $0xFFFFF086  }
0x25: {  	[simem:s6], [sflag:s4] =	dma.local [hbm:s3], $0xF7A  }
0x26: {  	[smem:$0x3F9F] =	sst s1;
	(tag) =	ssettag s2;
	_ =	strace s9  }
0x27: {  	s1 =	sld [smem:$0x3FAF]  }
0x28: {  	s2 =	sld [smem:$0x3FB0]  }
0x29: {  	s4 =	sld [smem:$0x3FB2]  }
0x2a: {  	p0 =	seq.s32 s5, $0x0;
	s5 =	sld [smem:$0x3FB3]  }
0x2b: {  	s6 =	sld [smem:$0x3FB4]  }
0x2c: {  	s7 =	sld [smem:$0x3FB5]  }
0x2d: {  	s3 =	simm.s32 $0x108;
	s8 =	sld [smem:$0x3FB6]  }
0x2e: {  	s3 =	simm.s32 @!p0 $0x1082;
	s9 =	sld [smem:$0x3FB7]  }
0x2f: {  	lr =	sadd.s32 s0, s3;
	s0 =	sld [smem:$0x3FAE]  }
0x30: {  	s3 =	sld [smem:$0x3FB1]  }
0x31: {  	[smem:$0x3FBA] =	sst s10  }
0x32: {  	s10 =	sld [smem:$0x3FB8];
	_ =	sdelay $0x3  }
0x33: {  	p0 =	seq.s32 s10, $0x1;
	s10 =	sld [smem:$0x3FBA];
	_ =	sdelay $0x3  }
0x34: {  	[smem:$0x3FBA] =	sst s10  }
0x35: {  	s10 =	sld [smem:$0x3FB9];
	_ =	sdelay $0x3  }
0x36: {  	p1 =	seq.s32 s10, $0x1;
	s10 =	sld [smem:$0x3FBA];
	_ =	sdelay $0x3  }
0x37: {  	[smem:$0x3FBA] =	sst s10  }
0x38: {  	s10 =	sld [smem:$0x3FBB]  }
0x39: {  	_ = 	snop;
	(pc) =	sbr.ind lr, $3  }
0x3a: {  	_ = 	snop  }
0x3b: {  	_ = 	snop  }
0x3c: {  	p2 =	seq.s32 s10, $0x1;
	s10 =	sld [smem:$0x3FBA]  }
0x3d: {  	_ =	shalt  }
0x3e: {  	_ =	shalt  }
0x3f: {  	_ =	shalt  }
0x40: {  	_ =	shalt  }
0x41: {  	_ =	shalt  }
0x42: {  	_ =	shalt  }
0x43: {  	_ =	shalt  }
0x44: {  	_ =	shalt  }
0x45: {  	_ =	shalt  }
0x46: {  	_ =	shalt  }
0x47: {  	_ =	shalt  }
0x48: {  	_ =	shalt  }
0x49: {  	_ =	shalt  }
0x4a: {  	_ =	shalt  }
0x4b: {  	_ =	shalt  }
0x4c: {  	_ =	shalt  }
0x4d: {  	_ =	shalt  }
0x4e: {  	_ =	shalt  }
0x4f: {  	_ =	shalt  }
0x50: {  	_ =	shalt  }
0x51: {  	_ =	shalt  }
0x52: {  	_ =	shalt  }
0x53: {  	_ =	shalt  }
0x54: {  	_ =	shalt  }
0x55: {  	_ =	shalt  }
0x56: {  	_ =	shalt  }
0x57: {  	_ =	shalt  }
0x58: {  	_ =	shalt  }
0x59: {  	_ =	shalt  }
0x5a: {  	_ =	shalt  }
0x5b: {  	_ =	shalt  }
0x5c: {  	_ =	shalt  }
0x5d: {  	_ =	shalt  }
0x5e: {  	_ =	shalt  }
0x5f: {  	_ =	shalt  }
0x60: {  	_ =	shalt  }
0x61: {  	_ =	shalt  }
0x62: {  	_ =	shalt  }
0x63: {  	_ =	shalt  }
0x64: {  	_ =	shalt  }
0x65: {  	_ =	shalt  }
0x66: {  	_ =	shalt  }
0x67: {  	_ =	shalt  }
0x68: {  	_ =	shalt  }
0x69: {  	_ =	shalt  }
0x6a: {  	_ =	shalt  }
0x6b: {  	_ =	shalt  }
0x6c: {  	_ =	shalt  }
0x6d: {  	_ =	shalt  }
0x6e: {  	_ =	shalt  }
0x6f: {  	_ =	shalt  }
0x70: {  	_ =	shalt  }
0x71: {  	_ =	shalt  }
0x72: {  	_ =	shalt  }
0x73: {  	_ =	shalt  }
0x74: {  	_ =	shalt  }
0x75: {  	_ =	shalt  }
0x76: {  	_ =	shalt  }
0x77: {  	_ =	shalt  }
0x78: {  	_ =	shalt  }
0x79: {  	_ =	shalt  }
0x7a: {  	_ =	shalt  }
0x7b: {  	_ =	shalt  }
0x7c: {  	_ =	shalt  }
0x7d: {  	_ =	shalt  }
0x7e: {  	_ =	shalt  }
0x7f: {  	_ =	shalt  }
0x80: {  	_ =	shalt  }
0x81: {  	_ =	shalt  }
0x82: {  	_ =	shalt  }
0x83: {  	_ =	shalt  }
0x84: {  	_ =	shalt  }
0x85: {  	_ =	shalt  }
0x86: {  	_ =	shalt  }
0x87: {  	_ =	shalt  }
.Lfunc_end0:
.L_simem_size_0:
called_computation_lowered:
.L_overlay_start_0:
0x88: {  	s2 =	sld [smem:$0x3FD9]  }
0x89: {  	s3 =	sld [smem:$0x3FFE];
	_ =	sdelay $0x1  }
0x8a: {  	s1 =	srdreg.scid  }
0x8b: {  	s0 =	sand.u32 $0x1, s1  }
0x8c: {  	s14 =	sshll.u32 s0, $0xA;
	s2 =	sadd.s32 s3, s2  }
0x8d: {  	s2 =	sadd.s32 s2, s14  }
0x8e: {  	[smem:$0x3FC6] =	sst s2  }
0x8f: {  	_ = 	snop  }
0x90: {  	s2 =	sld [smem:$0x3FD0];
	_ =	sdelay $0x2  }
0x91: {  	s15 =	simm.s32 $0xA;
	s4 =	simm.s32 $0x10  }
0x92: {  	[smem:s4], [sflag:s15] =	dma.local [hbm:s2], $0x1  }
0x93: {  	_ =	swait.eq [sflag:s15], $0x1  }
0x94: {  	[sflag:s15] =	ssyncset.done $0x0  }
0x95: {  	s16 =	sld [smem:$0x10];
	[sflag:s15] =	ssyncadd.s32 $0xFFFFFFFF  }
0x96: {  	s17 =	sld [smem:$0x12];
	(tm) =	ssettm $0x1  }
0x97: {  	s18 =	sld [smem:$0x3FFB];
	_ =	sdelay $0x3  }
0x98: {  	_ =	strace s18  }
0x99: {  	s4 =	sld [smem:$0x3FFC];
	_ =	sdelay $0x3  }
0x9a: {  	_ =	strace s4  }
0x9b: {  	s4 =	sld [smem:$0x3FFD];
	_ =	sdelay $0x3  }
0x9c: {  	_ =	strace s4  }
0x9d: {  	_ =	strace $0x8FFFFFFF  }
0x9e: {  	s19 =	sld [smem:$0x3FDB];
	_ =	sdelay $0x1  }
0x9f: {  	s5 =	simm.s32 $_scs_section_size  }
0xa0: {  	s6 =	simm.s32 $_size__tile_overlayer_lowered;
	s7 =	simm.s32 $_tile_overlayer_lowered  }
0xa1: {  	s22 =	simm.s32 $0x1BFF;
	s21 =	sshll.u32 s7, $0x1;
	s4 =	sadd.s32 s5, s19  }
0xa2: {  	s8 =	simm.s32 $0x0;
	s20 =	sshll.u32 s6, $0x1;
	s6 =	sadd.s32 s21, s4  }
0xa3: {  	[timem:s8], [sflag:s22] =	dma.local [hbm:s6], s20  }
0xa4: {  	_ =	swait.ge [sflag:s22], s20  }
0xa5: {  	s5 =	ssub.s32 $0x0, s20;
	[sflag:s22] =	ssyncset.done $0x0  }
0xa6: {  	[sflag:s22] =	ssyncadd.s32 s5;
	_ =	sdelay $0x1  }
0xa7: {  	s23 =	simm.s32 $0x1B8B  }
0xa8: {  	_ =	swait.ge [sflag:s23], $0x1  }
0xa9: {  	[sflag:s23] =	ssyncset.done $0x0  }
0xaa: {  	s25 =	simm.s32 $0x1B8E;
	s24 =	sld [smem:$0x3FFE];
	[sflag:s23] =	ssyncadd.s32 $0xFFFFFFFF  }
0xab: {  	s26 =	simm.s32 $execute0_lowered;
	[smem:$0x3FD2] =	sst s25  }
0xac: {  	s6 =	sshll.u32 s26, $0x1;
	_ =	strace $0x80000046;
	[dreg:$0x1] =	wrdreg $0xFFFFFFFF  }
0xad: {  	s28 =	simm.s32 $_size_execute0_lowered;
	s4 =	sadd.s32 s4, s6;
	[dreg:$0x0] =	wrdreg $0x0  }
0xae: {  	s6 =	sshll.u32 s28, $0x1;
	[dreg:$0x2] =	wrdreg s4  }
0xaf: {  	[dreg:$0x3] =	wrdreg s6  }
0xb0: {  	[dreg:$0x4] =	wrdreg $0xC0  }
0xb1: {  	_ =	task [dreg:s8], $0x5FFFF  }
0xb2: {  	[dreg:$0x1] =	wrdreg $0xFFFFFFFF  }
0xb3: {  	[dreg:$0x0] =	wrdreg $0x60  }
0xb4: {  	[dreg:$0x2] =	wrdreg s24  }
0xb5: {  	[dreg:$0x3] =	wrdreg s17  }
0xb6: {  	[dreg:$0x4] =	wrdreg s16  }
0xb7: {  	[dreg:$0x5] =	wrdreg $0x9  }
0xb8: {  	_ =	task.clear_ibuf [dreg:s8], $0x6FFFF;
	_ =	strace $0x90000046  }
0xb9: {  	s29 =	simm.s32 $0x9;
	_ =	strace $0x80000048  }
0xba: {  	_ =	swait.ge [sflag:s29], $0x1  }
0xbb: {  	[sflag:s29] =	ssyncadd.s32 $0xFFFFFFFF  }
0xbc: {  	_ =	strace $0x90000048  }
0xbd: {  	_ =	sfence  }
0xbe: {  	s30 =	sld [smem:$0x0];
	_ =	sdelay $0x2  }
0xbf: {  	s31 =	sshll.u32 s1, $0xD;
	s1 =	sshrl.u32 s1, $0x2  }
0xc0: {  	s3 =	sand.u32 $0x4000, s31;
	s1 =	sadd.s32 s1, s30  }
0xc1: {  	s0 =	sor.u32 s3, s0;
	s1 =	sshll.u32 s1, $0x11  }
0xc2: {  	s0 =	sor.u32 s1, s0  }
0xc3: {  	s0 =	sadd.s32 $0x8F2B, s0  }
0xc4: {  	[sflag:s0] =	ssyncadd.remote.s32 $0x1  }
0xc5: {  	_ =	sfence.sel $0xFFFF  }
0xc6: {  	[dreg:$0x0] =	wrdreg $0xFFFFFFFF;
	(pc) =	sbr.abs _section_cstart, $3  }
0xc7: {  	[dreg:$0x1] =	wrdreg $0xFFFFFFFF  }
0xc8: {  	_ =	task.clear_ibuf [dreg:s8], $0x2FFFF;
	_ =	strace $0x9FFFFFFF  }
0xc9: {  	(tm) =	ssettm $0x7FFFFFFF  }
tec
execute0_lowered:
.L_overlay_start_1:
0x0: {  	(tag) =	ssettag $0x1  }
0x1: {  	s1 =	rddreg [dreg:$0x0];
	s2 =	srdreg.scid  }
0x2: {  	s10 =	rddreg [dreg:$0x1];
	s0 =	stileid.u32;
	s19 =	sand.u32 $0x1, s2  }
0x3: {  	s20 =	rddreg [dreg:$0x2];
	s4 =	sshll.u32 s0, $0xA;
	s5 =	sshll.u32 s19, $0x9  }
0x4: {  	s3 =	simm.s32 $0x0;
	s2 =	rddreg [dreg:$0x3];
	s17 =	sor.u32 s5, s4  }
0x5: {  	[smem:$0x7FF] =	sst s3;
	s4 =	sshrl.u32 s17, $0x3  }
0x6: {  	_ =	strace $0x80000047;
	s5 =	sadd.s32 s10, s4;
	s4 =	simm.s32 $0x2  }
0x7: {  	[tilespmem:s3], [sflag:$0x2] =	stream.linear.gather [hbm4b:s5+s3], $0x80, $0x38;
	[tilespmem:$0x4200] =	vst v63  }
0x8: {  	s18 =	sor.u32 $0x80, s17;
	_ =	swait.ge [sflag:s4], $0x80  }
0x9: {  	s6 =	sshrl.u32 s18, $0x3;
	[sflag:s4] =	ssyncset.done $0x0  }
0xa: {  	s7 =	simm.s32 $0x80;
	s6 =	sadd.s32 s10, s6;
	[sflag:s4] =	ssyncadd.s32 $0xFFFFFF80  }
0xb: {  	[tilespmem:s7], [sflag:$0x2] =	stream.linear.gather [hbm4b:s6+s3], $0x80, $0x38;
	[tilespmem:$0x4200] =	vst v63  }
0xc: {  	s21 =	sor.u32 $0x100, s17;
	_ =	swait.ge [sflag:s4], $0x80  }
0xd: {  	s8 =	sshrl.u32 s21, $0x3;
	[sflag:s4] =	ssyncset.done $0x0  }
0xe: {  	s9 =	simm.s32 $0x100;
	s8 =	sadd.s32 s10, s8;
	[sflag:s4] =	ssyncadd.s32 $0xFFFFFF80  }
0xf: {  	[tilespmem:s9], [sflag:$0x2] =	stream.linear.gather [hbm4b:s8+s3], $0x80, $0x38;
	[tilespmem:$0x4200] =	vst v63  }
0x10: {  	s22 =	sor.u32 $0x180, s17;
	_ =	swait.ge [sflag:s4], $0x80  }
0x11: {  	s11 =	sshrl.u32 s22, $0x3;
	[sflag:s4] =	ssyncset.done $0x0  }
0x12: {  	s10 =	sadd.s32 s10, s11;
	s11 =	simm.s32 $0x180;
	[sflag:s4] =	ssyncadd.s32 $0xFFFFFF80  }
0x13: {  	[tilespmem:s11], [sflag:$0x2] =	stream.linear.gather [hbm4b:s10+s3], $0x80, $0x38;
	[tilespmem:$0x4200] =	vst v63  }
0x14: {  	_ =	swait.ge [sflag:s4], $0x80  }
0x15: {  	[sflag:s4] =	ssyncset.done $0x0  }
0x16: {  	s12 =	simm.s32 $0x200;
	[sflag:s4] =	ssyncadd.s32 $0xFFFFFF80  }
0x17: {  	[tilespmem:s12], [sflag:$0x1] =	stream.indirect.gather [hbm4b:s1+s7], $0x20, s3, s7, $0xb8;
	[tilespmem:$0x4200] =	vst v63  }
0x18: {  	s13 =	simm.s32 $0x1200  }
0x19: {  	[tilespmem:s13], [sflag:$0x1] =	stream.indirect.gather [hbm4b:s1+s7], $0x20, s7, s7, $0xb8;
	[tilespmem:$0x4200] =	vst v63  }
0x1a: {  	s14 =	simm.s32 $0x2200  }
0x1b: {  	[tilespmem:s14], [sflag:$0x1] =	stream.indirect.gather [hbm4b:s1+s7], $0x20, s9, s7, $0xb8;
	[tilespmem:$0x4200] =	vst v63  }
0x1c: {  	s15 =	simm.s32 $0x3200;
	s16 =	simm.s32 $0x1  }
0x1d: {  	[tilespmem:s15], [sflag:$0x1] =	stream.indirect.gather [hbm4b:s1+s7], $0x20, s11, s7, $0xb8;
	[tilespmem:$0x4200] =	vst v63  }
0x1e: {  	_ =	swait.ge [sflag:s16], $0x1000  }
0x1f: {  	[sflag:s16] =	ssyncset.done $0x0  }
0x20: {  	[sflag:s16] =	ssyncadd.s32 $0xFFFFF000  }
0x21: {  	_ =	swait.ge [sflag:s16], $0x1000  }
0x22: {  	[sflag:s16] =	ssyncset.done $0x0  }
0x23: {  	[sflag:s16] =	ssyncadd.s32 $0xFFFFF000  }
0x24: {  	_ =	swait.ge [sflag:s16], $0x1000  }
0x25: {  	[sflag:s16] =	ssyncset.done $0x0  }
0x26: {  	[sflag:s16] =	ssyncadd.s32 $0xFFFFF000  }
0x27: {  	_ =	swait.ge [sflag:s16], $0x1000  }
0x28: {  	s17 =	sshll.u32 s17, $0x2;
	[sflag:s16] =	ssyncset.done $0x0  }
0x29: {  	s17 =	sadd.s32 s20, s17;
	[sflag:s16] =	ssyncadd.s32 $0xFFFFF000  }
0x2a: {  	[hbm4b:s17+s3] =	stream.linear.scatter [tilespmem:s12], [sflag:$0x2], $0x1000, $0x38;
	[tilespmem:$0x4200] =	vst v63  }
0x2b: {  	_ =	swait.ge [sflag:s4], $0x1000  }
0x2c: {  	s18 =	sshll.u32 s18, $0x2;
	[sflag:s4] =	ssyncset.done $0x0  }
0x2d: {  	s23 =	ssub.s32 $0x2, s19;
	s18 =	sadd.s32 s20, s18;
	[sflag:s4] =	ssyncadd.s32 $0xFFFFF000  }
0x2e: {  	[hbm4b:s18+s3] =	stream.linear.scatter [tilespmem:s13], [sflag:$0x2], $0x1000, $0x38;
	[tilespmem:$0x4200] =	vst v63  }
0x2f: {  	s31 =	sshrl.u32 s23, $0x1;
	s21 =	sshll.u32 s21, $0x2;
	_ =	swait.ge [sflag:s4], $0x1000  }
0x30: {  	s19 =	sadd.s32 s20, s21;
	s21 =	ssub.s32 s23, s31;
	[sflag:s4] =	ssyncset.done $0x0  }
0x31: {  	s21 =	smax.u32 s21, $0x1;
	[sflag:s4] =	ssyncadd.s32 $0xFFFFF000  }
0x32: {  	[hbm4b:s19+s3] =	stream.linear.scatter [tilespmem:s14], [sflag:$0x2], $0x1000, $0x38;
	[tilespmem:$0x4200] =	vst v63  }
0x33: {  	p0 =	sne.s32 s21, $0x1;
	_ =	swait.ge [sflag:s4], $0x1000  }
.Ltmp0:
0x34: {  	s22 =	sshll.u32 s22, $0x2;
	[sflag:s4] =	ssyncset.done $0x0;
	(pc) =	sbr.rel @!p0 .LBB2_2-.Ltmp0, $4  }
0x35: {  	s20 =	sadd.s32 s20, s22;
	[sflag:s4] =	ssyncadd.s32 $0xFFFFF000  }
0x36: {  	[hbm4b:s20+s3] =	stream.linear.scatter [tilespmem:s15], [sflag:$0x2], $0x1000, $0x38;
	[tilespmem:$0x4200] =	vst v63  }
0x37: {  	_ =	swait.ge [sflag:s4], $0x1000  }
0x38: {  	s21 =	sadd.s32 $0xFFFFFFFF, s21;
	[sflag:s4] =	ssyncset.done $0x0  }
.LBB2_1:
0x39: {  	p0 =	sne.s32 s21, $0x1;
	s21 =	sadd.s32 $0xFFFFFFFF, s21;
	[sflag:s4] =	ssyncadd.s32 $0xFFFFF000  }
0x3a: {  	[tilespmem:s3], [sflag:$0x2] =	stream.linear.gather [hbm4b:s5+s3], $0x80, $0x38;
	[tilespmem:$0x4200] =	vst v63  }
0x3b: {  	_ =	swait.ge [sflag:s4], $0x80  }
0x3c: {  	[sflag:s4] =	ssyncset.done $0x0  }
0x3d: {  	[sflag:s4] =	ssyncadd.s32 $0xFFFFFF80  }
0x3e: {  	[tilespmem:s7], [sflag:$0x2] =	stream.linear.gather [hbm4b:s6+s3], $0x80, $0x38;
	[tilespmem:$0x4200] =	vst v63  }
0x3f: {  	_ =	swait.ge [sflag:s4], $0x80  }
0x40: {  	[sflag:s4] =	ssyncset.done $0x0  }
0x41: {  	[sflag:s4] =	ssyncadd.s32 $0xFFFFFF80  }
0x42: {  	[tilespmem:s9], [sflag:$0x2] =	stream.linear.gather [hbm4b:s8+s3], $0x80, $0x38;
	[tilespmem:$0x4200] =	vst v63  }
0x43: {  	_ =	swait.ge [sflag:s4], $0x80  }
0x44: {  	[sflag:s4] =	ssyncset.done $0x0  }
0x45: {  	[sflag:s4] =	ssyncadd.s32 $0xFFFFFF80  }
0x46: {  	[tilespmem:s11], [sflag:$0x2] =	stream.linear.gather [hbm4b:s10+s3], $0x80, $0x38;
	[tilespmem:$0x4200] =	vst v63  }
0x47: {  	_ =	swait.ge [sflag:s4], $0x80  }
0x48: {  	[sflag:s4] =	ssyncset.done $0x0  }
0x49: {  	[sflag:s4] =	ssyncadd.s32 $0xFFFFFF80  }
0x4a: {  	[tilespmem:s12], [sflag:$0x1] =	stream.indirect.gather [hbm4b:s1+s7], $0x20, s3, s7, $0xb8;
	[tilespmem:$0x4200] =	vst v63  }
0x4b: {  	_ = 	snop  }
0x4c: {  	[tilespmem:s13], [sflag:$0x1] =	stream.indirect.gather [hbm4b:s1+s7], $0x20, s7, s7, $0xb8;
	[tilespmem:$0x4200] =	vst v63  }
0x4d: {  	_ = 	snop  }
0x4e: {  	[tilespmem:s14], [sflag:$0x1] =	stream.indirect.gather [hbm4b:s1+s7], $0x20, s9, s7, $0xb8;
	[tilespmem:$0x4200] =	vst v63  }
0x4f: {  	_ = 	snop  }
0x50: {  	[tilespmem:s15], [sflag:$0x1] =	stream.indirect.gather [hbm4b:s1+s7], $0x20, s11, s7, $0xb8;
	[tilespmem:$0x4200] =	vst v63  }
0x51: {  	_ =	swait.ge [sflag:s16], $0x1000  }
0x52: {  	[sflag:s16] =	ssyncset.done $0x0  }
0x53: {  	[sflag:s16] =	ssyncadd.s32 $0xFFFFF000  }
0x54: {  	_ =	swait.ge [sflag:s16], $0x1000  }
0x55: {  	[sflag:s16] =	ssyncset.done $0x0  }
0x56: {  	[sflag:s16] =	ssyncadd.s32 $0xFFFFF000  }
0x57: {  	_ =	swait.ge [sflag:s16], $0x1000  }
0x58: {  	[sflag:s16] =	ssyncset.done $0x0  }
0x59: {  	[sflag:s16] =	ssyncadd.s32 $0xFFFFF000  }
0x5a: {  	_ =	swait.ge [sflag:s16], $0x1000  }
0x5b: {  	[sflag:s16] =	ssyncset.done $0x0  }
0x5c: {  	[sflag:s16] =	ssyncadd.s32 $0xFFFFF000  }
0x5d: {  	[hbm4b:s17+s3] =	stream.linear.scatter [tilespmem:s12], [sflag:$0x2], $0x1000, $0x38;
	[tilespmem:$0x4200] =	vst v63  }
0x5e: {  	_ =	swait.ge [sflag:s4], $0x1000  }
0x5f: {  	[sflag:s4] =	ssyncset.done $0x0  }
0x60: {  	[sflag:s4] =	ssyncadd.s32 $0xFFFFF000  }
0x61: {  	[hbm4b:s18+s3] =	stream.linear.scatter [tilespmem:s13], [sflag:$0x2], $0x1000, $0x38;
	[tilespmem:$0x4200] =	vst v63  }
0x62: {  	_ =	swait.ge [sflag:s4], $0x1000  }
0x63: {  	[sflag:s4] =	ssyncset.done $0x0  }
0x64: {  	[sflag:s4] =	ssyncadd.s32 $0xFFFFF000  }
0x65: {  	[hbm4b:s19+s3] =	stream.linear.scatter [tilespmem:s14], [sflag:$0x2], $0x1000, $0x38;
	[tilespmem:$0x4200] =	vst v63  }
0x66: {  	_ =	swait.ge [sflag:s4], $0x1000  }
.Ltmp1:
0x67: {  	[sflag:s4] =	ssyncset.done $0x0;
	(pc) =	sbr.rel @p0 .LBB2_1-.Ltmp1, $4  }
0x68: {  	[sflag:s4] =	ssyncadd.s32 $0xFFFFF000  }
0x69: {  	[hbm4b:s20+s3] =	stream.linear.scatter [tilespmem:s15], [sflag:$0x2], $0x1000, $0x38;
	[tilespmem:$0x4200] =	vst v63  }
0x6a: {  	_ =	swait.ge [sflag:s4], $0x1000  }
0x6b: {  	[sflag:s4] =	ssyncset.done $0x0  }
.LBB2_2:
0x6c: {  	[sflag:s4] =	ssyncadd.s32 $0xFFFFF000  }
0x6d: {  	_ =	sfence.sel $0x180000  }
0x6e: {  	[bflag:$0x0] =	sbarrier.arrive $0xFFFF  }
0x6f: {  	p0 =	sne.s32 s0, $0x0;
	_ =	strace $0x90000047  }
0x70: {  	s0 =	sadd.s32 @!p0 $0x100000, s2;
	[bflag:$0x2] =	sbarrier.arrive $0xFFFF  }
0x71: {  	[sflag:s0] =	ssyncadd.tile.s32 @!p0 $0x1;
	_ =	shalt  }
.Lfunc_end2:
_tile_overlayer_lowered:
.L_overlay_start_2:
0x72: {  	(tag) =	ssettag $0x2  }
0x73: {  	s0 =	rddreg [dreg:$0x0];
	s2 =	stileid.u32  }
0x74: {  	s1 =	rddreg [dreg:$0x1];
	p0 =	sne.s32 s2, $0x0  }
0x75: {  	s3 =	rddreg [dreg:$0x2];
	[bflag:$0x3] =	sbarrier.arrive $0xFFFF;
	s2 =	simm.s32 @!p0 $0x1C02  }
0x76: {  	[timem:s3], [sflag:s2] =	dma.local @!p0 [hbm:s0], s1  }
0x77: {  	s0 =	simm.s32 @!p0 $0x2  }
0x78: {  	_ =	swait.ge @!p0 [sflag:s0], s1  }
0x79: {  	s1 =	ssub.s32 @!p0 $0x0, s1;
	[sflag:s0] =	ssyncset.done @!p0 $0x0  }
0x7a: {  	[sflag:s0] =	ssyncadd.s32 @!p0 s1  }
0x7b: {  	[bflag:$0x3] =	sbarrier.arrive $0xFFFF  }
0x7c: {  	_ =	shalt  }

</sc_bundles>
